<compile_context>
chip_gen: v7x
topology: tpu7x:2x2x1
jax: 0.10.2.dev20260603
libtpu: 0.0.44.dev20260713+nightly
codegen_flags: <defaults>
</compile_context>

<pallas_src>
import functools

import jax
import jax.numpy as jnp
from jax import lax
from jax.experimental import pallas as pl
from jax.experimental.pallas import tpu as pltpu
from jax.experimental.pallas import tpu_sc as plsc

_CHUNK = 4
_STRIDE = 16


def _sc_body(ppw, x_hbm, meta_hbm, zero_hbm, out_hbm,
             meta_v, buf0, buf1, zbuf, gsem, ssem, zsem):
    wid = lax.axis_index("s") * 2 + lax.axis_index("c")
    base = wid * ppw
    pltpu.sync_copy(meta_hbm.at[wid], meta_v)
    pltpu.sync_copy(zero_hbm, zbuf)
    bufs = (buf0, buf1)
    nch = ppw // _CHUNK

    def w16_of(ch):
        return meta_v[pl.ds(ch * _STRIDE, 16)]

    def _fire_zeros(ch, carry):
        w16 = w16_of(ch)
        for i in range(_CHUNK):
            @pl.when(w16[i] < 0)
            def _z():
                pltpu.make_async_copy(
                    zbuf, out_hbm.at[base + ch * _CHUNK + i], zsem).start()
        return carry

    lax.fori_loop(0, nch, _fire_zeros, ())

    def start_gathers(ch, buf):
        w16 = w16_of(ch)
        for i in range(_CHUNK):
            s = w16[i]

            @pl.when(s >= 0)
            def _g():
                pltpu.make_async_copy(x_hbm.at[s], buf.at[i], gsem).start()

    def wait_gathers(ch, buf):
        w16 = w16_of(ch)
        for i in range(_CHUNK):
            @pl.when(w16[i] >= 0)
            def _w():
                pltpu.make_async_copy(x_hbm.at[0], buf.at[i], gsem).wait()

    def scatter(ch, buf, start):
        w16 = w16_of(ch)
        for i in range(_CHUNK):
            @pl.when(w16[i] >= 0)
            def _s():
                c = pltpu.make_async_copy(
                    buf.at[i], out_hbm.at[base + ch * _CHUNK + i], ssem)
                if start:
                    c.start()
                else:
                    c.wait()

    def _pipe(it, carry):
        for p in range(2):
            ch = 2 * it + p
            prev = jnp.maximum(ch - 2, 0)

            @pl.when(it > 0)
            def _free_buf():
                scatter(prev, bufs[p], start=False)

            start_gathers(ch, bufs[p])
        for p in range(2):
            ch = 2 * it + p
            wait_gathers(ch, bufs[p])
            scatter(ch, bufs[p], start=True)
        return carry

    lax.fori_loop(0, nch // 2, _pipe, ())

    for ch in (nch - 2, nch - 1):
        scatter(ch, bufs[ch % 2], start=False)

    def _drain_zeros(ch, carry):
        w16 = w16_of(ch)
        for i in range(_CHUNK):
            @pl.when(w16[i] < 0)
            def _z():
                pltpu.make_async_copy(
                    zbuf, out_hbm.at[base + ch * _CHUNK + i], zsem).wait()
        return carry

    lax.fori_loop(0, nch, _drain_zeros, ())


def kernel(x, indices):
    B, C, H, W = x.shape
    K = indices.shape[0]

    info = plsc.get_sparse_core_info()
    nw = info.num_cores * info.num_subcores
    ppw = B * K // nw
    nch = ppw // _CHUNK

    idx = indices.astype(jnp.int32)
    b2 = jnp.arange(B, dtype=jnp.int32)[:, None]
    iv2 = jnp.broadcast_to(idx[None, :], (B, K))
    src = jnp.where(iv2 < C, b2 * C + iv2, -1).reshape(B * K)
    meta = (jnp.zeros((nw, nch, _STRIDE), jnp.int32)
            .at[:, :, :_CHUNK].set(src.reshape(nw, nch, _CHUNK))
            .reshape(nw, nch * _STRIDE))
    zero_plane = jnp.zeros((H, W), dtype=x.dtype)

    x3 = x.reshape(B * C, H, W)
    mesh = plsc.VectorSubcoreMesh(core_axis_name="c", subcore_axis_name="s")
    out3 = pl.kernel(
        functools.partial(_sc_body, ppw),
        mesh=mesh,
        out_type=jax.ShapeDtypeStruct((B * K, H, W), x.dtype),
        scratch_types=[
            pltpu.VMEM((nch * _STRIDE,), jnp.int32),
            pltpu.VMEM((_CHUNK, H, W), jnp.float32),
            pltpu.VMEM((_CHUNK, H, W), jnp.float32),
            pltpu.VMEM((H, W), jnp.float32),
            pltpu.SemaphoreType.DMA,
            pltpu.SemaphoreType.DMA,
            pltpu.SemaphoreType.DMA,
        ],
    )(x3, meta, zero_plane)
    return out3.reshape(B, K, H, W)

# --- scband reference (transcript-rebuilt; emitter-appended) ---
"""Pipeline reference for scband-feature-map-scatter-62560493634005 (READ-ONLY COPY).

The authoritative reference and input builder live on the scoring server;
editing this copy changes nothing except your own understanding.
"""

import jax, jax.numpy as jnp
import numpy as np


def setup_inputs(seed: int = 0) -> dict:
    key = jax.random.key(seed)
    x = jax.random.normal(key, (16, 96, 112, 112), dtype=jnp.float32)
    # buffer: default indices = arange(num_features) (identity permutation),
    # matching FeatureMapScatter(num_features=192, indices=None)
    indices = jnp.arange(192, dtype=jnp.int64)
    return {"x": x, "indices": indices}


def reference(x, indices):
    B, C, H, W = x.shape
    out_chn = indices.shape[0]
    # torch.cat([x, zeros([B, out_chn - C, H, W])], dim=1)
    pad = jnp.zeros((B, out_chn - C, H, W), dtype=x.dtype)
    xp = jnp.concatenate([x, pad], axis=1)
    # x[:, self.indices, :, :] -> gather along channel axis
    return jnp.take(xp, indices, axis=1)

if __name__ == "__main__":
    import jax
    _d = setup_inputs()
    print(jax.jit(kernel)(*tuple(_d.values())))

</pallas_src>

<mosaic_0001>
#map = affine_map<(d0, d1) -> (0, 0, 0)>
#map1 = affine_map<(d0, d1) -> (0, 0)>
module attributes {stable_mosaic.version = 14 : i64} {
  func.func @_sc_body(%arg0: i32, %arg1: i32, %arg2: memref<1536x112x112xf32, #tpu.memory_space<hbm>>, %arg3: memref<32x384xi32, #tpu.memory_space<hbm>>, %arg4: memref<112x112xf32, #tpu.memory_space<hbm>>, %arg5: memref<3072x112x112xf32, #tpu.memory_space<hbm>>, %arg6: memref<384xi32, #tpu.memory_space<vmem>>, %arg7: memref<4x112x112xf32, #tpu.memory_space<vmem>>, %arg8: memref<4x112x112xf32, #tpu.memory_space<vmem>>, %arg9: memref<112x112xf32, #tpu.memory_space<vmem>>, %arg10: memref<!tpu.dma_semaphore, #tpu.memory_space<semaphore_mem>>, %arg11: memref<!tpu.dma_semaphore, #tpu.memory_space<semaphore_mem>>, %arg12: memref<!tpu.dma_semaphore, #tpu.memory_space<semaphore_mem>>) attributes {dimension_semantics = [#tpu.dimension_semantics<core_parallel>, #tpu.dimension_semantics<subcore_parallel>], iteration_bounds = array<i64: 2, 16>, scalar_prefetch = 0 : i64, scratch_operands = 7 : i64, tpu.core_type = #tpu.core_type<sc_vector_subcore>, window_params = [{transform_indices = #map}, {transform_indices = #map1}, {transform_indices = #map1}, {transform_indices = #map}]} {
    %mul3A = arith.constant 2 : i32
    %mul3A_0 = arith.muli %arg1, %mul3A : i32
    %add3A = arith.addi %mul3A_0, %arg0 : i32
    %mul3A_1 = arith.constant 96 : i32
    %mul3A_2 = arith.muli %add3A, %mul3A_1 : i32
    "tpu.region"() ({
      %run_scoped3A = tpu.sem_alloc : memref<!tpu.dma_semaphore, #tpu.memory_space<semaphore_mem>>
      %dma_start3A = arith.constant 0 : i32
      %dma_start3A_73 = tpu.memref_slice %arg3[%add3A, %dma_start3A] : memref<32x384xi32, #tpu.memory_space<hbm>> -> memref<1x384xi32, #tpu.memory_space<hbm>>
      %dma_start3A_74 = tpu.memref_squeeze %dma_start3A_73 : memref<1x384xi32, #tpu.memory_space<hbm>> -> memref<384xi32, #tpu.memory_space<hbm>>
      %dma_start3A_75 = arith.constant 0 : i32
      %dma_start3A_76 = tpu.memref_slice %arg3[%add3A, %dma_start3A_75] : memref<32x384xi32, #tpu.memory_space<hbm>> -> memref<1x384xi32, #tpu.memory_space<hbm>>
      %dma_start3A_77 = tpu.memref_squeeze %dma_start3A_76 : memref<1x384xi32, #tpu.memory_space<hbm>> -> memref<384xi32, #tpu.memory_space<hbm>>
      tpu.enqueue_dma source(%dma_start3A_77 : memref<384xi32, #tpu.memory_space<hbm>>) target(%arg6 : memref<384xi32, #tpu.memory_space<vmem>>) target_semaphore(%run_scoped3A : memref<!tpu.dma_semaphore, #tpu.memory_space<semaphore_mem>>)
      %dma_wait3A = arith.constant 0 : i32
      %dma_wait3A_78 = tpu.memref_slice %arg3[%add3A, %dma_wait3A] : memref<32x384xi32, #tpu.memory_space<hbm>> -> memref<1x384xi32, #tpu.memory_space<hbm>>
      %dma_wait3A_79 = tpu.memref_squeeze %dma_wait3A_78 : memref<1x384xi32, #tpu.memory_space<hbm>> -> memref<384xi32, #tpu.memory_space<hbm>>
      %dma_wait3A_80 = arith.constant 0 : i32
      %dma_wait3A_81 = tpu.memref_slice %arg3[%add3A, %dma_wait3A_80] : memref<32x384xi32, #tpu.memory_space<hbm>> -> memref<1x384xi32, #tpu.memory_space<hbm>>
      %dma_wait3A_82 = tpu.memref_squeeze %dma_wait3A_81 : memref<1x384xi32, #tpu.memory_space<hbm>> -> memref<384xi32, #tpu.memory_space<hbm>>
      tpu.wait_dma2 semaphore(%run_scoped3A : memref<!tpu.dma_semaphore, #tpu.memory_space<semaphore_mem>>) src(%dma_wait3A_82 : memref<384xi32, #tpu.memory_space<hbm>>) dst(%arg6 : memref<384xi32, #tpu.memory_space<vmem>>)
      tpu.yield
    }) : () -> ()
    "tpu.region"() ({
      %run_scoped3A = tpu.sem_alloc : memref<!tpu.dma_semaphore, #tpu.memory_space<semaphore_mem>>
      tpu.enqueue_dma source(%arg4 : memref<112x112xf32, #tpu.memory_space<hbm>>) target(%arg9 : memref<112x112xf32, #tpu.memory_space<vmem>>) target_semaphore(%run_scoped3A : memref<!tpu.dma_semaphore, #tpu.memory_space<semaphore_mem>>)
      tpu.wait_dma2 semaphore(%run_scoped3A : memref<!tpu.dma_semaphore, #tpu.memory_space<semaphore_mem>>) src(%arg4 : memref<112x112xf32, #tpu.memory_space<hbm>>) dst(%arg9 : memref<112x112xf32, #tpu.memory_space<vmem>>)
      tpu.yield
    }) : () -> ()
    %scan3A = arith.constant 0 : i32
    %scan3A_3 = arith.constant 24 : i32
    %scan3A_4 = arith.addi %scan3A, %scan3A_3 : i32
    %scan3A_5 = arith.constant 1 : i32
    scf.for %scan3A_73 = %scan3A to %scan3A_4 step %scan3A_5  : i32 {
      %mul3A_74 = arith.constant 16 : i32
      %mul3A_75 = arith.muli %scan3A_73, %mul3A_74 : i32
      %get3A_76 = arith.index_cast %mul3A_75 : i32 to index
      %get3A_77 = tpu.vector_load %arg6[%get3A_76] {strides = array<i32>} : memref<384xi32, #tpu.memory_space<vmem>>, vector<16xi32>,
      %get3A_78 = vector.shape_cast %get3A_77 : vector<16xi32> to vector<16xi32>
      %slice3A_79 = vector.extract_strided_slice %get3A_78 {offsets = [0], sizes = [1], strides = [1]} : vector<16xi32> to vector<1xi32>
      %squeeze3A_80 = vector.extract %slice3A_79[0] : i32 from vector<1xi32>
      %lt3A = arith.constant 0 : i32
      %lt3A_81 = arith.cmpi slt, %squeeze3A_80, %lt3A : i32
      %convert_element_type3A_82 = arith.extui %lt3A_81 : i1 to i32
      %cond3A_83 = arith.constant 0 : i32
      %cond3A_84 = arith.cmpi ne, %convert_element_type3A_82, %cond3A_83 : i32
      scf.if %cond3A_84 {
        %mul3A_106 = arith.constant 4 : i32
        %mul3A_107 = arith.muli %scan3A_73, %mul3A_106 : i32
        %add3A_108 = arith.addi %mul3A_2, %mul3A_107 : i32
        %add3A_109 = arith.constant 0 : i32
        %add3A_110 = arith.addi %add3A_108, %add3A_109 : i32
        %dma_start3A = arith.constant 0 : i32
        %dma_start3A_111 = arith.constant 0 : i32
        %dma_start3A_112 = tpu.memref_slice %arg5[%add3A_110, %dma_start3A, %dma_start3A_111] : memref<3072x112x112xf32, #tpu.memory_space<hbm>> -> memref<1x112x112xf32, #tpu.memory_space<hbm>>
        %dma_start3A_113 = tpu.memref_squeeze %dma_start3A_112 : memref<1x112x112xf32, #tpu.memory_space<hbm>> -> memref<112x112xf32, #tpu.memory_space<hbm>>
        %dma_start3A_114 = arith.constant 0 : i32
        %dma_start3A_115 = arith.constant 0 : i32
        %dma_start3A_116 = tpu.memref_slice %arg5[%add3A_110, %dma_start3A_114, %dma_start3A_115] : memref<3072x112x112xf32, #tpu.memory_space<hbm>> -> memref<1x112x112xf32, #tpu.memory_space<hbm>>
        %dma_start3A_117 = tpu.memref_squeeze %dma_start3A_116 : memref<1x112x112xf32, #tpu.memory_space<hbm>> -> memref<112x112xf32, #tpu.memory_space<hbm>>
        tpu.enqueue_dma source(%arg9 : memref<112x112xf32, #tpu.memory_space<vmem>>) target(%dma_start3A_117 : memref<112x112xf32, #tpu.memory_space<hbm>>) target_semaphore(%arg12 : memref<!tpu.dma_semaphore, #tpu.memory_space<semaphore_mem>>)
      } else {
      }
      %slice3A_85 = vector.extract_strided_slice %get3A_78 {offsets = [1], sizes = [1], strides = [1]} : vector<16xi32> to vector<1xi32>
      %squeeze3A_86 = vector.extract %slice3A_85[0] : i32 from vector<1xi32>
      %lt3A_87 = arith.constant 0 : i32
      %lt3A_88 = arith.cmpi slt, %squeeze3A_86, %lt3A_87 : i32
      %convert_element_type3A_89 = arith.extui %lt3A_88 : i1 to i32
      %cond3A_90 = arith.constant 0 : i32
      %cond3A_91 = arith.cmpi ne, %convert_element_type3A_89, %cond3A_90 : i32
      scf.if %cond3A_91 {
        %mul3A_106 = arith.constant 4 : i32
        %mul3A_107 = arith.muli %scan3A_73, %mul3A_106 : i32
        %add3A_108 = arith.addi %mul3A_2, %mul3A_107 : i32
        %add3A_109 = arith.constant 1 : i32
        %add3A_110 = arith.addi %add3A_108, %add3A_109 : i32
        %dma_start3A = arith.constant 0 : i32
        %dma_start3A_111 = arith.constant 0 : i32
        %dma_start3A_112 = tpu.memref_slice %arg5[%add3A_110, %dma_start3A, %dma_start3A_111] : memref<3072x112x112xf32, #tpu.memory_space<hbm>> -> memref<1x112x112xf32, #tpu.memory_space<hbm>>
        %dma_start3A_113 = tpu.memref_squeeze %dma_start3A_112 : memref<1x112x112xf32, #tpu.memory_space<hbm>> -> memref<112x112xf32, #tpu.memory_space<hbm>>
        %dma_start3A_114 = arith.constant 0 : i32
        %dma_start3A_115 = arith.constant 0 : i32
        %dma_start3A_116 = tpu.memref_slice %arg5[%add3A_110, %dma_start3A_114, %dma_start3A_115] : memref<3072x112x112xf32, #tpu.memory_space<hbm>> -> memref<1x112x112xf32, #tpu.memory_space<hbm>>
        %dma_start3A_117 = tpu.memref_squeeze %dma_start3A_116 : memref<1x112x112xf32, #tpu.memory_space<hbm>> -> memref<112x112xf32, #tpu.memory_space<hbm>>
        tpu.enqueue_dma source(%arg9 : memref<112x112xf32, #tpu.memory_space<vmem>>) target(%dma_start3A_117 : memref<112x112xf32, #tpu.memory_space<hbm>>) target_semaphore(%arg12 : memref<!tpu.dma_semaphore, #tpu.memory_space<semaphore_mem>>)
      } else {
      }
      %slice3A_92 = vector.extract_strided_slice %get3A_78 {offsets = [2], sizes = [1], strides = [1]} : vector<16xi32> to vector<1xi32>
      %squeeze3A_93 = vector.extract %slice3A_92[0] : i32 from vector<1xi32>
      %lt3A_94 = arith.constant 0 : i32
      %lt3A_95 = arith.cmpi slt, %squeeze3A_93, %lt3A_94 : i32
      %convert_element_type3A_96 = arith.extui %lt3A_95 : i1 to i32
      %cond3A_97 = arith.constant 0 : i32
      %cond3A_98 = arith.cmpi ne, %convert_element_type3A_96, %cond3A_97 : i32
      scf.if %cond3A_98 {
        %mul3A_106 = arith.constant 4 : i32
        %mul3A_107 = arith.muli %scan3A_73, %mul3A_106 : i32
        %add3A_108 = arith.addi %mul3A_2, %mul3A_107 : i32
        %add3A_109 = arith.constant 2 : i32
        %add3A_110 = arith.addi %add3A_108, %add3A_109 : i32
        %dma_start3A = arith.constant 0 : i32
        %dma_start3A_111 = arith.constant 0 : i32
        %dma_start3A_112 = tpu.memref_slice %arg5[%add3A_110, %dma_start3A, %dma_start3A_111] : memref<3072x112x112xf32, #tpu.memory_space<hbm>> -> memref<1x112x112xf32, #tpu.memory_space<hbm>>
        %dma_start3A_113 = tpu.memref_squeeze %dma_start3A_112 : memref<1x112x112xf32, #tpu.memory_space<hbm>> -> memref<112x112xf32, #tpu.memory_space<hbm>>
        %dma_start3A_114 = arith.constant 0 : i32
        %dma_start3A_115 = arith.constant 0 : i32
        %dma_start3A_116 = tpu.memref_slice %arg5[%add3A_110, %dma_start3A_114, %dma_start3A_115] : memref<3072x112x112xf32, #tpu.memory_space<hbm>> -> memref<1x112x112xf32, #tpu.memory_space<hbm>>
        %dma_start3A_117 = tpu.memref_squeeze %dma_start3A_116 : memref<1x112x112xf32, #tpu.memory_space<hbm>> -> memref<112x112xf32, #tpu.memory_space<hbm>>
        tpu.enqueue_dma source(%arg9 : memref<112x112xf32, #tpu.memory_space<vmem>>) target(%dma_start3A_117 : memref<112x112xf32, #tpu.memory_space<hbm>>) target_semaphore(%arg12 : memref<!tpu.dma_semaphore, #tpu.memory_space<semaphore_mem>>)
      } else {
      }
      %slice3A_99 = vector.extract_strided_slice %get3A_78 {offsets = [3], sizes = [1], strides = [1]} : vector<16xi32> to vector<1xi32>
      %squeeze3A_100 = vector.extract %slice3A_99[0] : i32 from vector<1xi32>
      %lt3A_101 = arith.constant 0 : i32
      %lt3A_102 = arith.cmpi slt, %squeeze3A_100, %lt3A_101 : i32
      %convert_element_type3A_103 = arith.extui %lt3A_102 : i1 to i32
      %cond3A_104 = arith.constant 0 : i32
      %cond3A_105 = arith.cmpi ne, %convert_element_type3A_103, %cond3A_104 : i32
      scf.if %cond3A_105 {
        %mul3A_106 = arith.constant 4 : i32
        %mul3A_107 = arith.muli %scan3A_73, %mul3A_106 : i32
        %add3A_108 = arith.addi %mul3A_2, %mul3A_107 : i32
        %add3A_109 = arith.constant 3 : i32
        %add3A_110 = arith.addi %add3A_108, %add3A_109 : i32
        %dma_start3A = arith.constant 0 : i32
        %dma_start3A_111 = arith.constant 0 : i32
        %dma_start3A_112 = tpu.memref_slice %arg5[%add3A_110, %dma_start3A, %dma_start3A_111] : memref<3072x112x112xf32, #tpu.memory_space<hbm>> -> memref<1x112x112xf32, #tpu.memory_space<hbm>>
        %dma_start3A_113 = tpu.memref_squeeze %dma_start3A_112 : memref<1x112x112xf32, #tpu.memory_space<hbm>> -> memref<112x112xf32, #tpu.memory_space<hbm>>
        %dma_start3A_114 = arith.constant 0 : i32
        %dma_start3A_115 = arith.constant 0 : i32
        %dma_start3A_116 = tpu.memref_slice %arg5[%add3A_110, %dma_start3A_114, %dma_start3A_115] : memref<3072x112x112xf32, #tpu.memory_space<hbm>> -> memref<1x112x112xf32, #tpu.memory_space<hbm>>
        %dma_start3A_117 = tpu.memref_squeeze %dma_start3A_116 : memref<1x112x112xf32, #tpu.memory_space<hbm>> -> memref<112x112xf32, #tpu.memory_space<hbm>>
        tpu.enqueue_dma source(%arg9 : memref<112x112xf32, #tpu.memory_space<vmem>>) target(%dma_start3A_117 : memref<112x112xf32, #tpu.memory_space<hbm>>) target_semaphore(%arg12 : memref<!tpu.dma_semaphore, #tpu.memory_space<semaphore_mem>>)
      } else {
      }
    }
    %scan3A_6 = arith.constant 24 : i32
    %scan3A_7 = arith.constant 0 : i32
    %scan3A_8 = arith.constant 12 : i32
    %scan3A_9 = arith.addi %scan3A_7, %scan3A_8 : i32
    %scan3A_10 = arith.constant 1 : i32
    scf.for %scan3A_73 = %scan3A_7 to %scan3A_9 step %scan3A_10  : i32 {
      %mul3A_74 = arith.constant 2 : i32
      %mul3A_75 = arith.muli %mul3A_74, %scan3A_73 : i32
      %add3A_76 = arith.constant 0 : i32
      %add3A_77 = arith.addi %mul3A_75, %add3A_76 : i32
      %sub3A = arith.constant 2 : i32
      %sub3A_78 = arith.subi %add3A_77, %sub3A : i32
      %max3A = arith.constant 0 : i32
      %max3A_79 = arith.maxsi %sub3A_78, %max3A : i32
      %gt3A = arith.constant 0 : i32
      %gt3A_80 = arith.cmpi sgt, %scan3A_73, %gt3A : i32
      %convert_element_type3A_81 = arith.extui %gt3A_80 : i1 to i32
      %cond3A_82 = arith.constant 0 : i32
      %cond3A_83 = arith.cmpi ne, %convert_element_type3A_81, %cond3A_82 : i32
      scf.if %cond3A_83 {
        %mul3A_303 = arith.constant 16 : i32
        %mul3A_304 = arith.muli %max3A_79, %mul3A_303 : i32
        %get3A_305 = arith.index_cast %mul3A_304 : i32 to index
        %get3A_306 = tpu.vector_load %arg6[%get3A_305] {strides = array<i32>} : memref<384xi32, #tpu.memory_space<vmem>>, vector<16xi32>,
        %get3A_307 = vector.shape_cast %get3A_306 : vector<16xi32> to vector<16xi32>
        %slice3A_308 = vector.extract_strided_slice %get3A_307 {offsets = [0], sizes = [1], strides = [1]} : vector<16xi32> to vector<1xi32>
        %squeeze3A_309 = vector.extract %slice3A_308[0] : i32 from vector<1xi32>
        %ge3A_310 = arith.constant 0 : i32
        %ge3A_311 = arith.cmpi sge, %squeeze3A_309, %ge3A_310 : i32
        %convert_element_type3A_312 = arith.extui %ge3A_311 : i1 to i32
        %cond3A_313 = arith.constant 0 : i32
        %cond3A_314 = arith.cmpi ne, %convert_element_type3A_312, %cond3A_313 : i32
        scf.if %cond3A_314 {
          %mul3A_336 = arith.constant 4 : i32
          %mul3A_337 = arith.muli %max3A_79, %mul3A_336 : i32
          %add3A_338 = arith.addi %mul3A_2, %mul3A_337 : i32
          %add3A_339 = arith.constant 0 : i32
          %add3A_340 = arith.addi %add3A_338, %add3A_339 : i32
          %dma_wait3A = arith.constant 0 : i32
          %dma_wait3A_341 = arith.constant 0 : i32
          %dma_wait3A_342 = arith.constant 0 : i32
          %dma_wait3A_343 = tpu.memref_slice %arg7[%dma_wait3A, %dma_wait3A_341, %dma_wait3A_342] : memref<4x112x112xf32, #tpu.memory_space<vmem>> -> memref<1x112x112xf32, #tpu.memory_space<vmem>>
          %dma_wait3A_344 = tpu.memref_squeeze %dma_wait3A_343 : memref<1x112x112xf32, #tpu.memory_space<vmem>> -> memref<112x112xf32, #tpu.memory_space<vmem>>
          %dma_wait3A_345 = arith.constant 0 : i32
          %dma_wait3A_346 = arith.constant 0 : i32
          %dma_wait3A_347 = tpu.memref_slice %arg5[%add3A_340, %dma_wait3A_345, %dma_wait3A_346] : memref<3072x112x112xf32, #tpu.memory_space<hbm>> -> memref<1x112x112xf32, #tpu.memory_space<hbm>>
          %dma_wait3A_348 = tpu.memref_squeeze %dma_wait3A_347 : memref<1x112x112xf32, #tpu.memory_space<hbm>> -> memref<112x112xf32, #tpu.memory_space<hbm>>
          %dma_wait3A_349 = arith.constant 0 : i32
          %dma_wait3A_350 = arith.constant 0 : i32
          %dma_wait3A_351 = tpu.memref_slice %arg5[%add3A_340, %dma_wait3A_349, %dma_wait3A_350] : memref<3072x112x112xf32, #tpu.memory_space<hbm>> -> memref<1x112x112xf32, #tpu.memory_space<hbm>>
          %dma_wait3A_352 = tpu.memref_squeeze %dma_wait3A_351 : memref<1x112x112xf32, #tpu.memory_space<hbm>> -> memref<112x112xf32, #tpu.memory_space<hbm>>
          %dma_wait3A_353 = arith.constant 0 : i32
          %dma_wait3A_354 = arith.constant 0 : i32
          %dma_wait3A_355 = tpu.memref_slice %arg7[%dma_wait3A, %dma_wait3A_353, %dma_wait3A_354] : memref<4x112x112xf32, #tpu.memory_space<vmem>> -> memref<1x112x112xf32, #tpu.memory_space<vmem>>
          %dma_wait3A_356 = tpu.memref_squeeze %dma_wait3A_355 : memref<1x112x112xf32, #tpu.memory_space<vmem>> -> memref<112x112xf32, #tpu.memory_space<vmem>>
          tpu.wait_dma2 semaphore(%arg11 : memref<!tpu.dma_semaphore, #tpu.memory_space<semaphore_mem>>) src(%dma_wait3A_356 : memref<112x112xf32, #tpu.memory_space<vmem>>) dst(%dma_wait3A_352 : memref<112x112xf32, #tpu.memory_space<hbm>>)
        } else {
        }
        %slice3A_315 = vector.extract_strided_slice %get3A_307 {offsets = [1], sizes = [1], strides = [1]} : vector<16xi32> to vector<1xi32>
        %squeeze3A_316 = vector.extract %slice3A_315[0] : i32 from vector<1xi32>
        %ge3A_317 = arith.constant 0 : i32
        %ge3A_318 = arith.cmpi sge, %squeeze3A_316, %ge3A_317 : i32
        %convert_element_type3A_319 = arith.extui %ge3A_318 : i1 to i32
        %cond3A_320 = arith.constant 0 : i32
        %cond3A_321 = arith.cmpi ne, %convert_element_type3A_319, %cond3A_320 : i32
        scf.if %cond3A_321 {
          %mul3A_336 = arith.constant 4 : i32
          %mul3A_337 = arith.muli %max3A_79, %mul3A_336 : i32
          %add3A_338 = arith.addi %mul3A_2, %mul3A_337 : i32
          %add3A_339 = arith.constant 1 : i32
          %add3A_340 = arith.addi %add3A_338, %add3A_339 : i32
          %dma_wait3A = arith.constant 1 : i32
          %dma_wait3A_341 = arith.constant 0 : i32
          %dma_wait3A_342 = arith.constant 0 : i32
          %dma_wait3A_343 = tpu.memref_slice %arg7[%dma_wait3A, %dma_wait3A_341, %dma_wait3A_342] : memref<4x112x112xf32, #tpu.memory_space<vmem>> -> memref<1x112x112xf32, #tpu.memory_space<vmem>>
          %dma_wait3A_344 = tpu.memref_squeeze %dma_wait3A_343 : memref<1x112x112xf32, #tpu.memory_space<vmem>> -> memref<112x112xf32, #tpu.memory_space<vmem>>
          %dma_wait3A_345 = arith.constant 0 : i32
          %dma_wait3A_346 = arith.constant 0 : i32
          %dma_wait3A_347 = tpu.memref_slice %arg5[%add3A_340, %dma_wait3A_345, %dma_wait3A_346] : memref<3072x112x112xf32, #tpu.memory_space<hbm>> -> memref<1x112x112xf32, #tpu.memory_space<hbm>>
          %dma_wait3A_348 = tpu.memref_squeeze %dma_wait3A_347 : memref<1x112x112xf32, #tpu.memory_space<hbm>> -> memref<112x112xf32, #tpu.memory_space<hbm>>
          %dma_wait3A_349 = arith.constant 0 : i32
          %dma_wait3A_350 = arith.constant 0 : i32
          %dma_wait3A_351 = tpu.memref_slice %arg5[%add3A_340, %dma_wait3A_349, %dma_wait3A_350] : memref<3072x112x112xf32, #tpu.memory_space<hbm>> -> memref<1x112x112xf32, #tpu.memory_space<hbm>>
          %dma_wait3A_352 = tpu.memref_squeeze %dma_wait3A_351 : memref<1x112x112xf32, #tpu.memory_space<hbm>> -> memref<112x112xf32, #tpu.memory_space<hbm>>
          %dma_wait3A_353 = arith.constant 0 : i32
          %dma_wait3A_354 = arith.constant 0 : i32
          %dma_wait3A_355 = tpu.memref_slice %arg7[%dma_wait3A, %dma_wait3A_353, %dma_wait3A_354] : memref<4x112x112xf32, #tpu.memory_space<vmem>> -> memref<1x112x112xf32, #tpu.memory_space<vmem>>
          %dma_wait3A_356 = tpu.memref_squeeze %dma_wait3A_355 : memref<1x112x112xf32, #tpu.memory_space<vmem>> -> memref<112x112xf32, #tpu.memory_space<vmem>>
          tpu.wait_dma2 semaphore(%arg11 : memref<!tpu.dma_semaphore, #tpu.memory_space<semaphore_mem>>) src(%dma_wait3A_356 : memref<112x112xf32, #tpu.memory_space<vmem>>) dst(%dma_wait3A_352 : memref<112x112xf32, #tpu.memory_space<hbm>>)
        } else {
        }
        %slice3A_322 = vector.extract_strided_slice %get3A_307 {offsets = [2], sizes = [1], strides = [1]} : vector<16xi32> to vector<1xi32>
        %squeeze3A_323 = vector.extract %slice3A_322[0] : i32 from vector<1xi32>
        %ge3A_324 = arith.constant 0 : i32
        %ge3A_325 = arith.cmpi sge, %squeeze3A_323, %ge3A_324 : i32
        %convert_element_type3A_326 = arith.extui %ge3A_325 : i1 to i32
        %cond3A_327 = arith.constant 0 : i32
        %cond3A_328 = arith.cmpi ne, %convert_element_type3A_326, %cond3A_327 : i32
        scf.if %cond3A_328 {
          %mul3A_336 = arith.constant 4 : i32
          %mul3A_337 = arith.muli %max3A_79, %mul3A_336 : i32
          %add3A_338 = arith.addi %mul3A_2, %mul3A_337 : i32
          %add3A_339 = arith.constant 2 : i32
          %add3A_340 = arith.addi %add3A_338, %add3A_339 : i32
          %dma_wait3A = arith.constant 2 : i32
          %dma_wait3A_341 = arith.constant 0 : i32
          %dma_wait3A_342 = arith.constant 0 : i32
          %dma_wait3A_343 = tpu.memref_slice %arg7[%dma_wait3A, %dma_wait3A_341, %dma_wait3A_342] : memref<4x112x112xf32, #tpu.memory_space<vmem>> -> memref<1x112x112xf32, #tpu.memory_space<vmem>>
          %dma_wait3A_344 = tpu.memref_squeeze %dma_wait3A_343 : memref<1x112x112xf32, #tpu.memory_space<vmem>> -> memref<112x112xf32, #tpu.memory_space<vmem>>
          %dma_wait3A_345 = arith.constant 0 : i32
          %dma_wait3A_346 = arith.constant 0 : i32
          %dma_wait3A_347 = tpu.memref_slice %arg5[%add3A_340, %dma_wait3A_345, %dma_wait3A_346] : memref<3072x112x112xf32, #tpu.memory_space<hbm>> -> memref<1x112x112xf32, #tpu.memory_space<hbm>>
          %dma_wait3A_348 = tpu.memref_squeeze %dma_wait3A_347 : memref<1x112x112xf32, #tpu.memory_space<hbm>> -> memref<112x112xf32, #tpu.memory_space<hbm>>
          %dma_wait3A_349 = arith.constant 0 : i32
          %dma_wait3A_350 = arith.constant 0 : i32
          %dma_wait3A_351 = tpu.memref_slice %arg5[%add3A_340, %dma_wait3A_349, %dma_wait3A_350] : memref<3072x112x112xf32, #tpu.memory_space<hbm>> -> memref<1x112x112xf32, #tpu.memory_space<hbm>>
          %dma_wait3A_352 = tpu.memref_squeeze %dma_wait3A_351 : memref<1x112x112xf32, #tpu.memory_space<hbm>> -> memref<112x112xf32, #tpu.memory_space<hbm>>
          %dma_wait3A_353 = arith.constant 0 : i32
          %dma_wait3A_354 = arith.constant 0 : i32
          %dma_wait3A_355 = tpu.memref_slice %arg7[%dma_wait3A, %dma_wait3A_353, %dma_wait3A_354] : memref<4x112x112xf32, #tpu.memory_space<vmem>> -> memref<1x112x112xf32, #tpu.memory_space<vmem>>
          %dma_wait3A_356 = tpu.memref_squeeze %dma_wait3A_355 : memref<1x112x112xf32, #tpu.memory_space<vmem>> -> memref<112x112xf32, #tpu.memory_space<vmem>>
          tpu.wait_dma2 semaphore(%arg11 : memref<!tpu.dma_semaphore, #tpu.memory_space<semaphore_mem>>) src(%dma_wait3A_356 : memref<112x112xf32, #tpu.memory_space<vmem>>) dst(%dma_wait3A_352 : memref<112x112xf32, #tpu.memory_space<hbm>>)
        } else {
        }
        %slice3A_329 = vector.extract_strided_slice %get3A_307 {offsets = [3], sizes = [1], strides = [1]} : vector<16xi32> to vector<1xi32>
        %squeeze3A_330 = vector.extract %slice3A_329[0] : i32 from vector<1xi32>
        %ge3A_331 = arith.constant 0 : i32
        %ge3A_332 = arith.cmpi sge, %squeeze3A_330, %ge3A_331 : i32
        %convert_element_type3A_333 = arith.extui %ge3A_332 : i1 to i32
        %cond3A_334 = arith.constant 0 : i32
        %cond3A_335 = arith.cmpi ne, %convert_element_type3A_333, %cond3A_334 : i32
        scf.if %cond3A_335 {
          %mul3A_336 = arith.constant 4 : i32
          %mul3A_337 = arith.muli %max3A_79, %mul3A_336 : i32
          %add3A_338 = arith.addi %mul3A_2, %mul3A_337 : i32
          %add3A_339 = arith.constant 3 : i32
          %add3A_340 = arith.addi %add3A_338, %add3A_339 : i32
          %dma_wait3A = arith.constant 3 : i32
          %dma_wait3A_341 = arith.constant 0 : i32
          %dma_wait3A_342 = arith.constant 0 : i32
          %dma_wait3A_343 = tpu.memref_slice %arg7[%dma_wait3A, %dma_wait3A_341, %dma_wait3A_342] : memref<4x112x112xf32, #tpu.memory_space<vmem>> -> memref<1x112x112xf32, #tpu.memory_space<vmem>>
          %dma_wait3A_344 = tpu.memref_squeeze %dma_wait3A_343 : memref<1x112x112xf32, #tpu.memory_space<vmem>> -> memref<112x112xf32, #tpu.memory_space<vmem>>
          %dma_wait3A_345 = arith.constant 0 : i32
          %dma_wait3A_346 = arith.constant 0 : i32
          %dma_wait3A_347 = tpu.memref_slice %arg5[%add3A_340, %dma_wait3A_345, %dma_wait3A_346] : memref<3072x112x112xf32, #tpu.memory_space<hbm>> -> memref<1x112x112xf32, #tpu.memory_space<hbm>>
          %dma_wait3A_348 = tpu.memref_squeeze %dma_wait3A_347 : memref<1x112x112xf32, #tpu.memory_space<hbm>> -> memref<112x112xf32, #tpu.memory_space<hbm>>
          %dma_wait3A_349 = arith.constant 0 : i32
          %dma_wait3A_350 = arith.constant 0 : i32
          %dma_wait3A_351 = tpu.memref_slice %arg5[%add3A_340, %dma_wait3A_349, %dma_wait3A_350] : memref<3072x112x112xf32, #tpu.memory_space<hbm>> -> memref<1x112x112xf32, #tpu.memory_space<hbm>>
          %dma_wait3A_352 = tpu.memref_squeeze %dma_wait3A_351 : memref<1x112x112xf32, #tpu.memory_space<hbm>> -> memref<112x112xf32, #tpu.memory_space<hbm>>
          %dma_wait3A_353 = arith.constant 0 : i32
          %dma_wait3A_354 = arith.constant 0 : i32
          %dma_wait3A_355 = tpu.memref_slice %arg7[%dma_wait3A, %dma_wait3A_353, %dma_wait3A_354] : memref<4x112x112xf32, #tpu.memory_space<vmem>> -> memref<1x112x112xf32, #tpu.memory_space<vmem>>
          %dma_wait3A_356 = tpu.memref_squeeze %dma_wait3A_355 : memref<1x112x112xf32, #tpu.memory_space<vmem>> -> memref<112x112xf32, #tpu.memory_space<vmem>>
          tpu.wait_dma2 semaphore(%arg11 : memref<!tpu.dma_semaphore, #tpu.memory_space<semaphore_mem>>) src(%dma_wait3A_356 : memref<112x112xf32, #tpu.memory_space<vmem>>) dst(%dma_wait3A_352 : memref<112x112xf32, #tpu.memory_space<hbm>>)
        } else {
        }
      } else {
      }
      %mul3A_84 = arith.constant 16 : i32
      %mul3A_85 = arith.muli %add3A_77, %mul3A_84 : i32
      %get3A_86 = arith.index_cast %mul3A_85 : i32 to index
      %get3A_87 = tpu.vector_load %arg6[%get3A_86] {strides = array<i32>} : memref<384xi32, #tpu.memory_space<vmem>>, vector<16xi32>,
      %get3A_88 = vector.shape_cast %get3A_87 : vector<16xi32> to vector<16xi32>
      %slice3A_89 = vector.extract_strided_slice %get3A_88 {offsets = [0], sizes = [1], strides = [1]} : vector<16xi32> to vector<1xi32>
      %squeeze3A_90 = vector.extract %slice3A_89[0] : i32 from vector<1xi32>
      %ge3A_91 = arith.constant 0 : i32
      %ge3A_92 = arith.cmpi sge, %squeeze3A_90, %ge3A_91 : i32
      %convert_element_type3A_93 = arith.extui %ge3A_92 : i1 to i32
      %cond3A_94 = arith.constant 0 : i32
      %cond3A_95 = arith.cmpi ne, %convert_element_type3A_93, %cond3A_94 : i32
      scf.if %cond3A_95 {
        %dma_start3A = arith.constant 0 : i32
        %dma_start3A_303 = arith.constant 0 : i32
        %dma_start3A_304 = arith.constant 0 : i32
        %dma_start3A_305 = tpu.memref_slice %arg7[%dma_start3A, %dma_start3A_303, %dma_start3A_304] : memref<4x112x112xf32, #tpu.memory_space<vmem>> -> memref<1x112x112xf32, #tpu.memory_space<vmem>>
        %dma_start3A_306 = tpu.memref_squeeze %dma_start3A_305 : memref<1x112x112xf32, #tpu.memory_space<vmem>> -> memref<112x112xf32, #tpu.memory_space<vmem>>
        %dma_start3A_307 = arith.constant 0 : i32
        %dma_start3A_308 = arith.constant 0 : i32
        %dma_start3A_309 = tpu.memref_slice %arg2[%squeeze3A_90, %dma_start3A_307, %dma_start3A_308] : memref<1536x112x112xf32, #tpu.memory_space<hbm>> -> memref<1x112x112xf32, #tpu.memory_space<hbm>>
        %dma_start3A_310 = tpu.memref_squeeze %dma_start3A_309 : memref<1x112x112xf32, #tpu.memory_space<hbm>> -> memref<112x112xf32, #tpu.memory_space<hbm>>
        %dma_start3A_311 = arith.constant 0 : i32
        %dma_start3A_312 = arith.constant 0 : i32
        %dma_start3A_313 = tpu.memref_slice %arg7[%dma_start3A, %dma_start3A_311, %dma_start3A_312] : memref<4x112x112xf32, #tpu.memory_space<vmem>> -> memref<1x112x112xf32, #tpu.memory_space<vmem>>
        %dma_start3A_314 = tpu.memref_squeeze %dma_start3A_313 : memref<1x112x112xf32, #tpu.memory_space<vmem>> -> memref<112x112xf32, #tpu.memory_space<vmem>>
        %dma_start3A_315 = arith.constant 0 : i32
        %dma_start3A_316 = arith.constant 0 : i32
        %dma_start3A_317 = tpu.memref_slice %arg2[%squeeze3A_90, %dma_start3A_315, %dma_start3A_316] : memref<1536x112x112xf32, #tpu.memory_space<hbm>> -> memref<1x112x112xf32, #tpu.memory_space<hbm>>
        %dma_start3A_318 = tpu.memref_squeeze %dma_start3A_317 : memref<1x112x112xf32, #tpu.memory_space<hbm>> -> memref<112x112xf32, #tpu.memory_space<hbm>>
        tpu.enqueue_dma source(%dma_start3A_318 : memref<112x112xf32, #tpu.memory_space<hbm>>) target(%dma_start3A_314 : memref<112x112xf32, #tpu.memory_space<vmem>>) target_semaphore(%arg10 : memref<!tpu.dma_semaphore, #tpu.memory_space<semaphore_mem>>)
      } else {
      }
      %slice3A_96 = vector.extract_strided_slice %get3A_88 {offsets = [1], sizes = [1], strides = [1]} : vector<16xi32> to vector<1xi32>
      %squeeze3A_97 = vector.extract %slice3A_96[0] : i32 from vector<1xi32>
      %ge3A_98 = arith.constant 0 : i32
      %ge3A_99 = arith.cmpi sge, %squeeze3A_97, %ge3A_98 : i32
      %convert_element_type3A_100 = arith.extui %ge3A_99 : i1 to i32
      %cond3A_101 = arith.constant 0 : i32
      %cond3A_102 = arith.cmpi ne, %convert_element_type3A_100, %cond3A_101 : i32
      scf.if %cond3A_102 {
        %dma_start3A = arith.constant 1 : i32
        %dma_start3A_303 = arith.constant 0 : i32
        %dma_start3A_304 = arith.constant 0 : i32
        %dma_start3A_305 = tpu.memref_slice %arg7[%dma_start3A, %dma_start3A_303, %dma_start3A_304] : memref<4x112x112xf32, #tpu.memory_space<vmem>> -> memref<1x112x112xf32, #tpu.memory_space<vmem>>
        %dma_start3A_306 = tpu.memref_squeeze %dma_start3A_305 : memref<1x112x112xf32, #tpu.memory_space<vmem>> -> memref<112x112xf32, #tpu.memory_space<vmem>>
        %dma_start3A_307 = arith.constant 0 : i32
        %dma_start3A_308 = arith.constant 0 : i32
        %dma_start3A_309 = tpu.memref_slice %arg2[%squeeze3A_97, %dma_start3A_307, %dma_start3A_308] : memref<1536x112x112xf32, #tpu.memory_space<hbm>> -> memref<1x112x112xf32, #tpu.memory_space<hbm>>
        %dma_start3A_310 = tpu.memref_squeeze %dma_start3A_309 : memref<1x112x112xf32, #tpu.memory_space<hbm>> -> memref<112x112xf32, #tpu.memory_space<hbm>>
        %dma_start3A_311 = arith.constant 0 : i32
        %dma_start3A_312 = arith.constant 0 : i32
        %dma_start3A_313 = tpu.memref_slice %arg7[%dma_start3A, %dma_start3A_311, %dma_start3A_312] : memref<4x112x112xf32, #tpu.memory_space<vmem>> -> memref<1x112x112xf32, #tpu.memory_space<vmem>>
        %dma_start3A_314 = tpu.memref_squeeze %dma_start3A_313 : memref<1x112x112xf32, #tpu.memory_space<vmem>> -> memref<112x112xf32, #tpu.memory_space<vmem>>
        %dma_start3A_315 = arith.constant 0 : i32
        %dma_start3A_316 = arith.constant 0 : i32
        %dma_start3A_317 = tpu.memref_slice %arg2[%squeeze3A_97, %dma_start3A_315, %dma_start3A_316] : memref<1536x112x112xf32, #tpu.memory_space<hbm>> -> memref<1x112x112xf32, #tpu.memory_space<hbm>>
        %dma_start3A_318 = tpu.memref_squeeze %dma_start3A_317 : memref<1x112x112xf32, #tpu.memory_space<hbm>> -> memref<112x112xf32, #tpu.memory_space<hbm>>
        tpu.enqueue_dma source(%dma_start3A_318 : memref<112x112xf32, #tpu.memory_space<hbm>>) target(%dma_start3A_314 : memref<112x112xf32, #tpu.memory_space<vmem>>) target_semaphore(%arg10 : memref<!tpu.dma_semaphore, #tpu.memory_space<semaphore_mem>>)
      } else {
      }
      %slice3A_103 = vector.extract_strided_slice %get3A_88 {offsets = [2], sizes = [1], strides = [1]} : vector<16xi32> to vector<1xi32>
      %squeeze3A_104 = vector.extract %slice3A_103[0] : i32 from vector<1xi32>
      %ge3A_105 = arith.constant 0 : i32
      %ge3A_106 = arith.cmpi sge, %squeeze3A_104, %ge3A_105 : i32
      %convert_element_type3A_107 = arith.extui %ge3A_106 : i1 to i32
      %cond3A_108 = arith.constant 0 : i32
      %cond3A_109 = arith.cmpi ne, %convert_element_type3A_107, %cond3A_108 : i32
      scf.if %cond3A_109 {
        %dma_start3A = arith.constant 2 : i32
        %dma_start3A_303 = arith.constant 0 : i32
        %dma_start3A_304 = arith.constant 0 : i32
        %dma_start3A_305 = tpu.memref_slice %arg7[%dma_start3A, %dma_start3A_303, %dma_start3A_304] : memref<4x112x112xf32, #tpu.memory_space<vmem>> -> memref<1x112x112xf32, #tpu.memory_space<vmem>>
        %dma_start3A_306 = tpu.memref_squeeze %dma_start3A_305 : memref<1x112x112xf32, #tpu.memory_space<vmem>> -> memref<112x112xf32, #tpu.memory_space<vmem>>
        %dma_start3A_307 = arith.constant 0 : i32
        %dma_start3A_308 = arith.constant 0 : i32
        %dma_start3A_309 = tpu.memref_slice %arg2[%squeeze3A_104, %dma_start3A_307, %dma_start3A_308] : memref<1536x112x112xf32, #tpu.memory_space<hbm>> -> memref<1x112x112xf32, #tpu.memory_space<hbm>>
        %dma_start3A_310 = tpu.memref_squeeze %dma_start3A_309 : memref<1x112x112xf32, #tpu.memory_space<hbm>> -> memref<112x112xf32, #tpu.memory_space<hbm>>
        %dma_start3A_311 = arith.constant 0 : i32
        %dma_start3A_312 = arith.constant 0 : i32
        %dma_start3A_313 = tpu.memref_slice %arg7[%dma_start3A, %dma_start3A_311, %dma_start3A_312] : memref<4x112x112xf32, #tpu.memory_space<vmem>> -> memref<1x112x112xf32, #tpu.memory_space<vmem>>
        %dma_start3A_314 = tpu.memref_squeeze %dma_start3A_313 : memref<1x112x112xf32, #tpu.memory_space<vmem>> -> memref<112x112xf32, #tpu.memory_space<vmem>>
        %dma_start3A_315 = arith.constant 0 : i32
        %dma_start3A_316 = arith.constant 0 : i32
        %dma_start3A_317 = tpu.memref_slice %arg2[%squeeze3A_104, %dma_start3A_315, %dma_start3A_316] : memref<1536x112x112xf32, #tpu.memory_space<hbm>> -> memref<1x112x112xf32, #tpu.memory_space<hbm>>
        %dma_start3A_318 = tpu.memref_squeeze %dma_start3A_317 : memref<1x112x112xf32, #tpu.memory_space<hbm>> -> memref<112x112xf32, #tpu.memory_space<hbm>>
        tpu.enqueue_dma source(%dma_start3A_318 : memref<112x112xf32, #tpu.memory_space<hbm>>) target(%dma_start3A_314 : memref<112x112xf32, #tpu.memory_space<vmem>>) target_semaphore(%arg10 : memref<!tpu.dma_semaphore, #tpu.memory_space<semaphore_mem>>)
      } else {
      }
      %slice3A_110 = vector.extract_strided_slice %get3A_88 {offsets = [3], sizes = [1], strides = [1]} : vector<16xi32> to vector<1xi32>
      %squeeze3A_111 = vector.extract %slice3A_110[0] : i32 from vector<1xi32>
      %ge3A_112 = arith.constant 0 : i32
      %ge3A_113 = arith.cmpi sge, %squeeze3A_111, %ge3A_112 : i32
      %convert_element_type3A_114 = arith.extui %ge3A_113 : i1 to i32
      %cond3A_115 = arith.constant 0 : i32
      %cond3A_116 = arith.cmpi ne, %convert_element_type3A_114, %cond3A_115 : i32
      scf.if %cond3A_116 {
        %dma_start3A = arith.constant 3 : i32
        %dma_start3A_303 = arith.constant 0 : i32
        %dma_start3A_304 = arith.constant 0 : i32
        %dma_start3A_305 = tpu.memref_slice %arg7[%dma_start3A, %dma_start3A_303, %dma_start3A_304] : memref<4x112x112xf32, #tpu.memory_space<vmem>> -> memref<1x112x112xf32, #tpu.memory_space<vmem>>
        %dma_start3A_306 = tpu.memref_squeeze %dma_start3A_305 : memref<1x112x112xf32, #tpu.memory_space<vmem>> -> memref<112x112xf32, #tpu.memory_space<vmem>>
        %dma_start3A_307 = arith.constant 0 : i32
        %dma_start3A_308 = arith.constant 0 : i32
        %dma_start3A_309 = tpu.memref_slice %arg2[%squeeze3A_111, %dma_start3A_307, %dma_start3A_308] : memref<1536x112x112xf32, #tpu.memory_space<hbm>> -> memref<1x112x112xf32, #tpu.memory_space<hbm>>
        %dma_start3A_310 = tpu.memref_squeeze %dma_start3A_309 : memref<1x112x112xf32, #tpu.memory_space<hbm>> -> memref<112x112xf32, #tpu.memory_space<hbm>>
        %dma_start3A_311 = arith.constant 0 : i32
        %dma_start3A_312 = arith.constant 0 : i32
        %dma_start3A_313 = tpu.memref_slice %arg7[%dma_start3A, %dma_start3A_311, %dma_start3A_312] : memref<4x112x112xf32, #tpu.memory_space<vmem>> -> memref<1x112x112xf32, #tpu.memory_space<vmem>>
        %dma_start3A_314 = tpu.memref_squeeze %dma_start3A_313 : memref<1x112x112xf32, #tpu.memory_space<vmem>> -> memref<112x112xf32, #tpu.memory_space<vmem>>
        %dma_start3A_315 = arith.constant 0 : i32
        %dma_start3A_316 = arith.constant 0 : i32
        %dma_start3A_317 = tpu.memref_slice %arg2[%squeeze3A_111, %dma_start3A_315, %dma_start3A_316] : memref<1536x112x112xf32, #tpu.memory_space<hbm>> -> memref<1x112x112xf32, #tpu.memory_space<hbm>>
        %dma_start3A_318 = tpu.memref_squeeze %dma_start3A_317 : memref<1x112x112xf32, #tpu.memory_space<hbm>> -> memref<112x112xf32, #tpu.memory_space<hbm>>
        tpu.enqueue_dma source(%dma_start3A_318 : memref<112x112xf32, #tpu.memory_space<hbm>>) target(%dma_start3A_314 : memref<112x112xf32, #tpu.memory_space<vmem>>) target_semaphore(%arg10 : memref<!tpu.dma_semaphore, #tpu.memory_space<semaphore_mem>>)
      } else {
      }
      %mul3A_117 = arith.constant 2 : i32
      %mul3A_118 = arith.muli %mul3A_117, %scan3A_73 : i32
      %add3A_119 = arith.constant 1 : i32
      %add3A_120 = arith.addi %mul3A_118, %add3A_119 : i32
      %sub3A_121 = arith.constant 2 : i32
      %sub3A_122 = arith.subi %add3A_120, %sub3A_121 : i32
      %max3A_123 = arith.constant 0 : i32
      %max3A_124 = arith.maxsi %sub3A_122, %max3A_123 : i32
      %gt3A_125 = arith.constant 0 : i32
      %gt3A_126 = arith.cmpi sgt, %scan3A_73, %gt3A_125 : i32
      %convert_element_type3A_127 = arith.extui %gt3A_126 : i1 to i32
      %cond3A_128 = arith.constant 0 : i32
      %cond3A_129 = arith.cmpi ne, %convert_element_type3A_127, %cond3A_128 : i32
      scf.if %cond3A_129 {
        %mul3A_303 = arith.constant 16 : i32
        %mul3A_304 = arith.muli %max3A_124, %mul3A_303 : i32
        %get3A_305 = arith.index_cast %mul3A_304 : i32 to index
        %get3A_306 = tpu.vector_load %arg6[%get3A_305] {strides = array<i32>} : memref<384xi32, #tpu.memory_space<vmem>>, vector<16xi32>,
        %get3A_307 = vector.shape_cast %get3A_306 : vector<16xi32> to vector<16xi32>
        %slice3A_308 = vector.extract_strided_slice %get3A_307 {offsets = [0], sizes = [1], strides = [1]} : vector<16xi32> to vector<1xi32>
        %squeeze3A_309 = vector.extract %slice3A_308[0] : i32 from vector<1xi32>
        %ge3A_310 = arith.constant 0 : i32
        %ge3A_311 = arith.cmpi sge, %squeeze3A_309, %ge3A_310 : i32
        %convert_element_type3A_312 = arith.extui %ge3A_311 : i1 to i32
        %cond3A_313 = arith.constant 0 : i32
        %cond3A_314 = arith.cmpi ne, %convert_element_type3A_312, %cond3A_313 : i32
        scf.if %cond3A_314 {
          %mul3A_336 = arith.constant 4 : i32
          %mul3A_337 = arith.muli %max3A_124, %mul3A_336 : i32
          %add3A_338 = arith.addi %mul3A_2, %mul3A_337 : i32
          %add3A_339 = arith.constant 0 : i32
          %add3A_340 = arith.addi %add3A_338, %add3A_339 : i32
          %dma_wait3A = arith.constant 0 : i32
          %dma_wait3A_341 = arith.constant 0 : i32
          %dma_wait3A_342 = arith.constant 0 : i32
          %dma_wait3A_343 = tpu.memref_slice %arg8[%dma_wait3A, %dma_wait3A_341, %dma_wait3A_342] : memref<4x112x112xf32, #tpu.memory_space<vmem>> -> memref<1x112x112xf32, #tpu.memory_space<vmem>>
          %dma_wait3A_344 = tpu.memref_squeeze %dma_wait3A_343 : memref<1x112x112xf32, #tpu.memory_space<vmem>> -> memref<112x112xf32, #tpu.memory_space<vmem>>
          %dma_wait3A_345 = arith.constant 0 : i32
          %dma_wait3A_346 = arith.constant 0 : i32
          %dma_wait3A_347 = tpu.memref_slice %arg5[%add3A_340, %dma_wait3A_345, %dma_wait3A_346] : memref<3072x112x112xf32, #tpu.memory_space<hbm>> -> memref<1x112x112xf32, #tpu.memory_space<hbm>>
          %dma_wait3A_348 = tpu.memref_squeeze %dma_wait3A_347 : memref<1x112x112xf32, #tpu.memory_space<hbm>> -> memref<112x112xf32, #tpu.memory_space<hbm>>
          %dma_wait3A_349 = arith.constant 0 : i32
          %dma_wait3A_350 = arith.constant 0 : i32
          %dma_wait3A_351 = tpu.memref_slice %arg5[%add3A_340, %dma_wait3A_349, %dma_wait3A_350] : memref<3072x112x112xf32, #tpu.memory_space<hbm>> -> memref<1x112x112xf32, #tpu.memory_space<hbm>>
          %dma_wait3A_352 = tpu.memref_squeeze %dma_wait3A_351 : memref<1x112x112xf32, #tpu.memory_space<hbm>> -> memref<112x112xf32, #tpu.memory_space<hbm>>
          %dma_wait3A_353 = arith.constant 0 : i32
          %dma_wait3A_354 = arith.constant 0 : i32
          %dma_wait3A_355 = tpu.memref_slice %arg8[%dma_wait3A, %dma_wait3A_353, %dma_wait3A_354] : memref<4x112x112xf32, #tpu.memory_space<vmem>> -> memref<1x112x112xf32, #tpu.memory_space<vmem>>
          %dma_wait3A_356 = tpu.memref_squeeze %dma_wait3A_355 : memref<1x112x112xf32, #tpu.memory_space<vmem>> -> memref<112x112xf32, #tpu.memory_space<vmem>>
          tpu.wait_dma2 semaphore(%arg11 : memref<!tpu.dma_semaphore, #tpu.memory_space<semaphore_mem>>) src(%dma_wait3A_356 : memref<112x112xf32, #tpu.memory_space<vmem>>) dst(%dma_wait3A_352 : memref<112x112xf32, #tpu.memory_space<hbm>>)
        } else {
        }
        %slice3A_315 = vector.extract_strided_slice %get3A_307 {offsets = [1], sizes = [1], strides = [1]} : vector<16xi32> to vector<1xi32>
        %squeeze3A_316 = vector.extract %slice3A_315[0] : i32 from vector<1xi32>
        %ge3A_317 = arith.constant 0 : i32
        %ge3A_318 = arith.cmpi sge, %squeeze3A_316, %ge3A_317 : i32
        %convert_element_type3A_319 = arith.extui %ge3A_318 : i1 to i32
        %cond3A_320 = arith.constant 0 : i32
        %cond3A_321 = arith.cmpi ne, %convert_element_type3A_319, %cond3A_320 : i32
        scf.if %cond3A_321 {
          %mul3A_336 = arith.constant 4 : i32
          %mul3A_337 = arith.muli %max3A_124, %mul3A_336 : i32
          %add3A_338 = arith.addi %mul3A_2, %mul3A_337 : i32
          %add3A_339 = arith.constant 1 : i32
          %add3A_340 = arith.addi %add3A_338, %add3A_339 : i32
          %dma_wait3A = arith.constant 1 : i32
          %dma_wait3A_341 = arith.constant 0 : i32
          %dma_wait3A_342 = arith.constant 0 : i32
          %dma_wait3A_343 = tpu.memref_slice %arg8[%dma_wait3A, %dma_wait3A_341, %dma_wait3A_342] : memref<4x112x112xf32, #tpu.memory_space<vmem>> -> memref<1x112x112xf32, #tpu.memory_space<vmem>>
          %dma_wait3A_344 = tpu.memref_squeeze %dma_wait3A_343 : memref<1x112x112xf32, #tpu.memory_space<vmem>> -> memref<112x112xf32, #tpu.memory_space<vmem>>
          %dma_wait3A_345 = arith.constant 0 : i32
          %dma_wait3A_346 = arith.constant 0 : i32
          %dma_wait3A_347 = tpu.memref_slice %arg5[%add3A_340, %dma_wait3A_345, %dma_wait3A_346] : memref<3072x112x112xf32, #tpu.memory_space<hbm>> -> memref<1x112x112xf32, #tpu.memory_space<hbm>>
          %dma_wait3A_348 = tpu.memref_squeeze %dma_wait3A_347 : memref<1x112x112xf32, #tpu.memory_space<hbm>> -> memref<112x112xf32, #tpu.memory_space<hbm>>
          %dma_wait3A_349 = arith.constant 0 : i32
          %dma_wait3A_350 = arith.constant 0 : i32
          %dma_wait3A_351 = tpu.memref_slice %arg5[%add3A_340, %dma_wait3A_349, %dma_wait3A_350] : memref<3072x112x112xf32, #tpu.memory_space<hbm>> -> memref<1x112x112xf32, #tpu.memory_space<hbm>>
          %dma_wait3A_352 = tpu.memref_squeeze %dma_wait3A_351 : memref<1x112x112xf32, #tpu.memory_space<hbm>> -> memref<112x112xf32, #tpu.memory_space<hbm>>
          %dma_wait3A_353 = arith.constant 0 : i32
          %dma_wait3A_354 = arith.constant 0 : i32
          %dma_wait3A_355 = tpu.memref_slice %arg8[%dma_wait3A, %dma_wait3A_353, %dma_wait3A_354] : memref<4x112x112xf32, #tpu.memory_space<vmem>> -> memref<1x112x112xf32, #tpu.memory_space<vmem>>
          %dma_wait3A_356 = tpu.memref_squeeze %dma_wait3A_355 : memref<1x112x112xf32, #tpu.memory_space<vmem>> -> memref<112x112xf32, #tpu.memory_space<vmem>>
          tpu.wait_dma2 semaphore(%arg11 : memref<!tpu.dma_semaphore, #tpu.memory_space<semaphore_mem>>) src(%dma_wait3A_356 : memref<112x112xf32, #tpu.memory_space<vmem>>) dst(%dma_wait3A_352 : memref<112x112xf32, #tpu.memory_space<hbm>>)
        } else {
        }
        %slice3A_322 = vector.extract_strided_slice %get3A_307 {offsets = [2], sizes = [1], strides = [1]} : vector<16xi32> to vector<1xi32>
        %squeeze3A_323 = vector.extract %slice3A_322[0] : i32 from vector<1xi32>
        %ge3A_324 = arith.constant 0 : i32
        %ge3A_325 = arith.cmpi sge, %squeeze3A_323, %ge3A_324 : i32
        %convert_element_type3A_326 = arith.extui %ge3A_325 : i1 to i32
        %cond3A_327 = arith.constant 0 : i32
        %cond3A_328 = arith.cmpi ne, %convert_element_type3A_326, %cond3A_327 : i32
        scf.if %cond3A_328 {
          %mul3A_336 = arith.constant 4 : i32
          %mul3A_337 = arith.muli %max3A_124, %mul3A_336 : i32
          %add3A_338 = arith.addi %mul3A_2, %mul3A_337 : i32
          %add3A_339 = arith.constant 2 : i32
          %add3A_340 = arith.addi %add3A_338, %add3A_339 : i32
          %dma_wait3A = arith.constant 2 : i32
          %dma_wait3A_341 = arith.constant 0 : i32
          %dma_wait3A_342 = arith.constant 0 : i32
          %dma_wait3A_343 = tpu.memref_slice %arg8[%dma_wait3A, %dma_wait3A_341, %dma_wait3A_342] : memref<4x112x112xf32, #tpu.memory_space<vmem>> -> memref<1x112x112xf32, #tpu.memory_space<vmem>>
          %dma_wait3A_344 = tpu.memref_squeeze %dma_wait3A_343 : memref<1x112x112xf32, #tpu.memory_space<vmem>> -> memref<112x112xf32, #tpu.memory_space<vmem>>
          %dma_wait3A_345 = arith.constant 0 : i32
          %dma_wait3A_346 = arith.constant 0 : i32
          %dma_wait3A_347 = tpu.memref_slice %arg5[%add3A_340, %dma_wait3A_345, %dma_wait3A_346] : memref<3072x112x112xf32, #tpu.memory_space<hbm>> -> memref<1x112x112xf32, #tpu.memory_space<hbm>>
          %dma_wait3A_348 = tpu.memref_squeeze %dma_wait3A_347 : memref<1x112x112xf32, #tpu.memory_space<hbm>> -> memref<112x112xf32, #tpu.memory_space<hbm>>
          %dma_wait3A_349 = arith.constant 0 : i32
          %dma_wait3A_350 = arith.constant 0 : i32
          %dma_wait3A_351 = tpu.memref_slice %arg5[%add3A_340, %dma_wait3A_349, %dma_wait3A_350] : memref<3072x112x112xf32, #tpu.memory_space<hbm>> -> memref<1x112x112xf32, #tpu.memory_space<hbm>>
          %dma_wait3A_352 = tpu.memref_squeeze %dma_wait3A_351 : memref<1x112x112xf32, #tpu.memory_space<hbm>> -> memref<112x112xf32, #tpu.memory_space<hbm>>
          %dma_wait3A_353 = arith.constant 0 : i32
          %dma_wait3A_354 = arith.constant 0 : i32
          %dma_wait3A_355 = tpu.memref_slice %arg8[%dma_wait3A, %dma_wait3A_353, %dma_wait3A_354] : memref<4x112x112xf32, #tpu.memory_space<vmem>> -> memref<1x112x112xf32, #tpu.memory_space<vmem>>
          %dma_wait3A_356 = tpu.memref_squeeze %dma_wait3A_355 : memref<1x112x112xf32, #tpu.memory_space<vmem>> -> memref<112x112xf32, #tpu.memory_space<vmem>>
          tpu.wait_dma2 semaphore(%arg11 : memref<!tpu.dma_semaphore, #tpu.memory_space<semaphore_mem>>) src(%dma_wait3A_356 : memref<112x112xf32, #tpu.memory_space<vmem>>) dst(%dma_wait3A_352 : memref<112x112xf32, #tpu.memory_space<hbm>>)
        } else {
        }
        %slice3A_329 = vector.extract_strided_slice %get3A_307 {offsets = [3], sizes = [1], strides = [1]} : vector<16xi32> to vector<1xi32>
        %squeeze3A_330 = vector.extract %slice3A_329[0] : i32 from vector<1xi32>
        %ge3A_331 = arith.constant 0 : i32
        %ge3A_332 = arith.cmpi sge, %squeeze3A_330, %ge3A_331 : i32
        %convert_element_type3A_333 = arith.extui %ge3A_332 : i1 to i32
        %cond3A_334 = arith.constant 0 : i32
        %cond3A_335 = arith.cmpi ne, %convert_element_type3A_333, %cond3A_334 : i32
        scf.if %cond3A_335 {
          %mul3A_336 = arith.constant 4 : i32
          %mul3A_337 = arith.muli %max3A_124, %mul3A_336 : i32
          %add3A_338 = arith.addi %mul3A_2, %mul3A_337 : i32
          %add3A_339 = arith.constant 3 : i32
          %add3A_340 = arith.addi %add3A_338, %add3A_339 : i32
          %dma_wait3A = arith.constant 3 : i32
          %dma_wait3A_341 = arith.constant 0 : i32
          %dma_wait3A_342 = arith.constant 0 : i32
          %dma_wait3A_343 = tpu.memref_slice %arg8[%dma_wait3A, %dma_wait3A_341, %dma_wait3A_342] : memref<4x112x112xf32, #tpu.memory_space<vmem>> -> memref<1x112x112xf32, #tpu.memory_space<vmem>>
          %dma_wait3A_344 = tpu.memref_squeeze %dma_wait3A_343 : memref<1x112x112xf32, #tpu.memory_space<vmem>> -> memref<112x112xf32, #tpu.memory_space<vmem>>
          %dma_wait3A_345 = arith.constant 0 : i32
          %dma_wait3A_346 = arith.constant 0 : i32
          %dma_wait3A_347 = tpu.memref_slice %arg5[%add3A_340, %dma_wait3A_345, %dma_wait3A_346] : memref<3072x112x112xf32, #tpu.memory_space<hbm>> -> memref<1x112x112xf32, #tpu.memory_space<hbm>>
          %dma_wait3A_348 = tpu.memref_squeeze %dma_wait3A_347 : memref<1x112x112xf32, #tpu.memory_space<hbm>> -> memref<112x112xf32, #tpu.memory_space<hbm>>
          %dma_wait3A_349 = arith.constant 0 : i32
          %dma_wait3A_350 = arith.constant 0 : i32
          %dma_wait3A_351 = tpu.memref_slice %arg5[%add3A_340, %dma_wait3A_349, %dma_wait3A_350] : memref<3072x112x112xf32, #tpu.memory_space<hbm>> -> memref<1x112x112xf32, #tpu.memory_space<hbm>>
          %dma_wait3A_352 = tpu.memref_squeeze %dma_wait3A_351 : memref<1x112x112xf32, #tpu.memory_space<hbm>> -> memref<112x112xf32, #tpu.memory_space<hbm>>
          %dma_wait3A_353 = arith.constant 0 : i32
          %dma_wait3A_354 = arith.constant 0 : i32
          %dma_wait3A_355 = tpu.memref_slice %arg8[%dma_wait3A, %dma_wait3A_353, %dma_wait3A_354] : memref<4x112x112xf32, #tpu.memory_space<vmem>> -> memref<1x112x112xf32, #tpu.memory_space<vmem>>
          %dma_wait3A_356 = tpu.memref_squeeze %dma_wait3A_355 : memref<1x112x112xf32, #tpu.memory_space<vmem>> -> memref<112x112xf32, #tpu.memory_space<vmem>>
          tpu.wait_dma2 semaphore(%arg11 : memref<!tpu.dma_semaphore, #tpu.memory_space<semaphore_mem>>) src(%dma_wait3A_356 : memref<112x112xf32, #tpu.memory_space<vmem>>) dst(%dma_wait3A_352 : memref<112x112xf32, #tpu.memory_space<hbm>>)
        } else {
        }
      } else {
      }
      %mul3A_130 = arith.constant 16 : i32
      %mul3A_131 = arith.muli %add3A_120, %mul3A_130 : i32
      %get3A_132 = arith.index_cast %mul3A_131 : i32 to index
      %get3A_133 = tpu.vector_load %arg6[%get3A_132] {strides = array<i32>} : memref<384xi32, #tpu.memory_space<vmem>>, vector<16xi32>,
      %get3A_134 = vector.shape_cast %get3A_133 : vector<16xi32> to vector<16xi32>
      %slice3A_135 = vector.extract_strided_slice %get3A_134 {offsets = [0], sizes = [1], strides = [1]} : vector<16xi32> to vector<1xi32>
      %squeeze3A_136 = vector.extract %slice3A_135[0] : i32 from vector<1xi32>
      %ge3A_137 = arith.constant 0 : i32
      %ge3A_138 = arith.cmpi sge, %squeeze3A_136, %ge3A_137 : i32
      %convert_element_type3A_139 = arith.extui %ge3A_138 : i1 to i32
      %cond3A_140 = arith.constant 0 : i32
      %cond3A_141 = arith.cmpi ne, %convert_element_type3A_139, %cond3A_140 : i32
      scf.if %cond3A_141 {
        %dma_start3A = arith.constant 0 : i32
        %dma_start3A_303 = arith.constant 0 : i32
        %dma_start3A_304 = arith.constant 0 : i32
        %dma_start3A_305 = tpu.memref_slice %arg8[%dma_start3A, %dma_start3A_303, %dma_start3A_304] : memref<4x112x112xf32, #tpu.memory_space<vmem>> -> memref<1x112x112xf32, #tpu.memory_space<vmem>>
        %dma_start3A_306 = tpu.memref_squeeze %dma_start3A_305 : memref<1x112x112xf32, #tpu.memory_space<vmem>> -> memref<112x112xf32, #tpu.memory_space<vmem>>
        %dma_start3A_307 = arith.constant 0 : i32
        %dma_start3A_308 = arith.constant 0 : i32
        %dma_start3A_309 = tpu.memref_slice %arg2[%squeeze3A_136, %dma_start3A_307, %dma_start3A_308] : memref<1536x112x112xf32, #tpu.memory_space<hbm>> -> memref<1x112x112xf32, #tpu.memory_space<hbm>>
        %dma_start3A_310 = tpu.memref_squeeze %dma_start3A_309 : memref<1x112x112xf32, #tpu.memory_space<hbm>> -> memref<112x112xf32, #tpu.memory_space<hbm>>
        %dma_start3A_311 = arith.constant 0 : i32
        %dma_start3A_312 = arith.constant 0 : i32
        %dma_start3A_313 = tpu.memref_slice %arg8[%dma_start3A, %dma_start3A_311, %dma_start3A_312] : memref<4x112x112xf32, #tpu.memory_space<vmem>> -> memref<1x112x112xf32, #tpu.memory_space<vmem>>
        %dma_start3A_314 = tpu.memref_squeeze %dma_start3A_313 : memref<1x112x112xf32, #tpu.memory_space<vmem>> -> memref<112x112xf32, #tpu.memory_space<vmem>>
        %dma_start3A_315 = arith.constant 0 : i32
        %dma_start3A_316 = arith.constant 0 : i32
        %dma_start3A_317 = tpu.memref_slice %arg2[%squeeze3A_136, %dma_start3A_315, %dma_start3A_316] : memref<1536x112x112xf32, #tpu.memory_space<hbm>> -> memref<1x112x112xf32, #tpu.memory_space<hbm>>
        %dma_start3A_318 = tpu.memref_squeeze %dma_start3A_317 : memref<1x112x112xf32, #tpu.memory_space<hbm>> -> memref<112x112xf32, #tpu.memory_space<hbm>>
        tpu.enqueue_dma source(%dma_start3A_318 : memref<112x112xf32, #tpu.memory_space<hbm>>) target(%dma_start3A_314 : memref<112x112xf32, #tpu.memory_space<vmem>>) target_semaphore(%arg10 : memref<!tpu.dma_semaphore, #tpu.memory_space<semaphore_mem>>)
      } else {
      }
      %slice3A_142 = vector.extract_strided_slice %get3A_134 {offsets = [1], sizes = [1], strides = [1]} : vector<16xi32> to vector<1xi32>
      %squeeze3A_143 = vector.extract %slice3A_142[0] : i32 from vector<1xi32>
      %ge3A_144 = arith.constant 0 : i32
      %ge3A_145 = arith.cmpi sge, %squeeze3A_143, %ge3A_144 : i32
      %convert_element_type3A_146 = arith.extui %ge3A_145 : i1 to i32
      %cond3A_147 = arith.constant 0 : i32
      %cond3A_148 = arith.cmpi ne, %convert_element_type3A_146, %cond3A_147 : i32
      scf.if %cond3A_148 {
        %dma_start3A = arith.constant 1 : i32
        %dma_start3A_303 = arith.constant 0 : i32
        %dma_start3A_304 = arith.constant 0 : i32
        %dma_start3A_305 = tpu.memref_slice %arg8[%dma_start3A, %dma_start3A_303, %dma_start3A_304] : memref<4x112x112xf32, #tpu.memory_space<vmem>> -> memref<1x112x112xf32, #tpu.memory_space<vmem>>
        %dma_start3A_306 = tpu.memref_squeeze %dma_start3A_305 : memref<1x112x112xf32, #tpu.memory_space<vmem>> -> memref<112x112xf32, #tpu.memory_space<vmem>>
        %dma_start3A_307 = arith.constant 0 : i32
        %dma_start3A_308 = arith.constant 0 : i32
        %dma_start3A_309 = tpu.memref_slice %arg2[%squeeze3A_143, %dma_start3A_307, %dma_start3A_308] : memref<1536x112x112xf32, #tpu.memory_space<hbm>> -> memref<1x112x112xf32, #tpu.memory_space<hbm>>
        %dma_start3A_310 = tpu.memref_squeeze %dma_start3A_309 : memref<1x112x112xf32, #tpu.memory_space<hbm>> -> memref<112x112xf32, #tpu.memory_space<hbm>>
        %dma_start3A_311 = arith.constant 0 : i32
        %dma_start3A_312 = arith.constant 0 : i32
        %dma_start3A_313 = tpu.memref_slice %arg8[%dma_start3A, %dma_start3A_311, %dma_start3A_312] : memref<4x112x112xf32, #tpu.memory_space<vmem>> -> memref<1x112x112xf32, #tpu.memory_space<vmem>>
        %dma_start3A_314 = tpu.memref_squeeze %dma_start3A_313 : memref<1x112x112xf32, #tpu.memory_space<vmem>> -> memref<112x112xf32, #tpu.memory_space<vmem>>
        %dma_start3A_315 = arith.constant 0 : i32
        %dma_start3A_316 = arith.constant 0 : i32
        %dma_start3A_317 = tpu.memref_slice %arg2[%squeeze3A_143, %dma_start3A_315, %dma_start3A_316] : memref<1536x112x112xf32, #tpu.memory_space<hbm>> -> memref<1x112x112xf32, #tpu.memory_space<hbm>>
        %dma_start3A_318 = tpu.memref_squeeze %dma_start3A_317 : memref<1x112x112xf32, #tpu.memory_space<hbm>> -> memref<112x112xf32, #tpu.memory_space<hbm>>
        tpu.enqueue_dma source(%dma_start3A_318 : memref<112x112xf32, #tpu.memory_space<hbm>>) target(%dma_start3A_314 : memref<112x112xf32, #tpu.memory_space<vmem>>) target_semaphore(%arg10 : memref<!tpu.dma_semaphore, #tpu.memory_space<semaphore_mem>>)
      } else {
      }
      %slice3A_149 = vector.extract_strided_slice %get3A_134 {offsets = [2], sizes = [1], strides = [1]} : vector<16xi32> to vector<1xi32>
      %squeeze3A_150 = vector.extract %slice3A_149[0] : i32 from vector<1xi32>
      %ge3A_151 = arith.constant 0 : i32
      %ge3A_152 = arith.cmpi sge, %squeeze3A_150, %ge3A_151 : i32
      %convert_element_type3A_153 = arith.extui %ge3A_152 : i1 to i32
      %cond3A_154 = arith.constant 0 : i32
      %cond3A_155 = arith.cmpi ne, %convert_element_type3A_153, %cond3A_154 : i32
      scf.if %cond3A_155 {
        %dma_start3A = arith.constant 2 : i32
        %dma_start3A_303 = arith.constant 0 : i32
        %dma_start3A_304 = arith.constant 0 : i32
        %dma_start3A_305 = tpu.memref_slice %arg8[%dma_start3A, %dma_start3A_303, %dma_start3A_304] : memref<4x112x112xf32, #tpu.memory_space<vmem>> -> memref<1x112x112xf32, #tpu.memory_space<vmem>>
        %dma_start3A_306 = tpu.memref_squeeze %dma_start3A_305 : memref<1x112x112xf32, #tpu.memory_space<vmem>> -> memref<112x112xf32, #tpu.memory_space<vmem>>
        %dma_start3A_307 = arith.constant 0 : i32
        %dma_start3A_308 = arith.constant 0 : i32
        %dma_start3A_309 = tpu.memref_slice %arg2[%squeeze3A_150, %dma_start3A_307, %dma_start3A_308] : memref<1536x112x112xf32, #tpu.memory_space<hbm>> -> memref<1x112x112xf32, #tpu.memory_space<hbm>>
        %dma_start3A_310 = tpu.memref_squeeze %dma_start3A_309 : memref<1x112x112xf32, #tpu.memory_space<hbm>> -> memref<112x112xf32, #tpu.memory_space<hbm>>
        %dma_start3A_311 = arith.constant 0 : i32
        %dma_start3A_312 = arith.constant 0 : i32
        %dma_start3A_313 = tpu.memref_slice %arg8[%dma_start3A, %dma_start3A_311, %dma_start3A_312] : memref<4x112x112xf32, #tpu.memory_space<vmem>> -> memref<1x112x112xf32, #tpu.memory_space<vmem>>
        %dma_start3A_314 = tpu.memref_squeeze %dma_start3A_313 : memref<1x112x112xf32, #tpu.memory_space<vmem>> -> memref<112x112xf32, #tpu.memory_space<vmem>>
        %dma_start3A_315 = arith.constant 0 : i32
        %dma_start3A_316 = arith.constant 0 : i32
        %dma_start3A_317 = tpu.memref_slice %arg2[%squeeze3A_150, %dma_start3A_315, %dma_start3A_316] : memref<1536x112x112xf32, #tpu.memory_space<hbm>> -> memref<1x112x112xf32, #tpu.memory_space<hbm>>
        %dma_start3A_318 = tpu.memref_squeeze %dma_start3A_317 : memref<1x112x112xf32, #tpu.memory_space<hbm>> -> memref<112x112xf32, #tpu.memory_space<hbm>>
        tpu.enqueue_dma source(%dma_start3A_318 : memref<112x112xf32, #tpu.memory_space<hbm>>) target(%dma_start3A_314 : memref<112x112xf32, #tpu.memory_space<vmem>>) target_semaphore(%arg10 : memref<!tpu.dma_semaphore, #tpu.memory_space<semaphore_mem>>)
      } else {
      }
      %slice3A_156 = vector.extract_strided_slice %get3A_134 {offsets = [3], sizes = [1], strides = [1]} : vector<16xi32> to vector<1xi32>
      %squeeze3A_157 = vector.extract %slice3A_156[0] : i32 from vector<1xi32>
      %ge3A_158 = arith.constant 0 : i32
      %ge3A_159 = arith.cmpi sge, %squeeze3A_157, %ge3A_158 : i32
      %convert_element_type3A_160 = arith.extui %ge3A_159 : i1 to i32
      %cond3A_161 = arith.constant 0 : i32
      %cond3A_162 = arith.cmpi ne, %convert_element_type3A_160, %cond3A_161 : i32
      scf.if %cond3A_162 {
        %dma_start3A = arith.constant 3 : i32
        %dma_start3A_303 = arith.constant 0 : i32
        %dma_start3A_304 = arith.constant 0 : i32
        %dma_start3A_305 = tpu.memref_slice %arg8[%dma_start3A, %dma_start3A_303, %dma_start3A_304] : memref<4x112x112xf32, #tpu.memory_space<vmem>> -> memref<1x112x112xf32, #tpu.memory_space<vmem>>
        %dma_start3A_306 = tpu.memref_squeeze %dma_start3A_305 : memref<1x112x112xf32, #tpu.memory_space<vmem>> -> memref<112x112xf32, #tpu.memory_space<vmem>>
        %dma_start3A_307 = arith.constant 0 : i32
        %dma_start3A_308 = arith.constant 0 : i32
        %dma_start3A_309 = tpu.memref_slice %arg2[%squeeze3A_157, %dma_start3A_307, %dma_start3A_308] : memref<1536x112x112xf32, #tpu.memory_space<hbm>> -> memref<1x112x112xf32, #tpu.memory_space<hbm>>
        %dma_start3A_310 = tpu.memref_squeeze %dma_start3A_309 : memref<1x112x112xf32, #tpu.memory_space<hbm>> -> memref<112x112xf32, #tpu.memory_space<hbm>>
        %dma_start3A_311 = arith.constant 0 : i32
        %dma_start3A_312 = arith.constant 0 : i32
        %dma_start3A_313 = tpu.memref_slice %arg8[%dma_start3A, %dma_start3A_311, %dma_start3A_312] : memref<4x112x112xf32, #tpu.memory_space<vmem>> -> memref<1x112x112xf32, #tpu.memory_space<vmem>>
        %dma_start3A_314 = tpu.memref_squeeze %dma_start3A_313 : memref<1x112x112xf32, #tpu.memory_space<vmem>> -> memref<112x112xf32, #tpu.memory_space<vmem>>
        %dma_start3A_315 = arith.constant 0 : i32
        %dma_start3A_316 = arith.constant 0 : i32
        %dma_start3A_317 = tpu.memref_slice %arg2[%squeeze3A_157, %dma_start3A_315, %dma_start3A_316] : memref<1536x112x112xf32, #tpu.memory_space<hbm>> -> memref<1x112x112xf32, #tpu.memory_space<hbm>>
        %dma_start3A_318 = tpu.memref_squeeze %dma_start3A_317 : memref<1x112x112xf32, #tpu.memory_space<hbm>> -> memref<112x112xf32, #tpu.memory_space<hbm>>
        tpu.enqueue_dma source(%dma_start3A_318 : memref<112x112xf32, #tpu.memory_space<hbm>>) target(%dma_start3A_314 : memref<112x112xf32, #tpu.memory_space<vmem>>) target_semaphore(%arg10 : memref<!tpu.dma_semaphore, #tpu.memory_space<semaphore_mem>>)
      } else {
      }
      %mul3A_163 = arith.constant 2 : i32
      %mul3A_164 = arith.muli %mul3A_163, %scan3A_73 : i32
      %add3A_165 = arith.constant 0 : i32
      %add3A_166 = arith.addi %mul3A_164, %add3A_165 : i32
      %mul3A_167 = arith.constant 16 : i32
      %mul3A_168 = arith.muli %add3A_166, %mul3A_167 : i32
      %get3A_169 = arith.index_cast %mul3A_168 : i32 to index
      %get3A_170 = tpu.vector_load %arg6[%get3A_169] {strides = array<i32>} : memref<384xi32, #tpu.memory_space<vmem>>, vector<16xi32>,
      %get3A_171 = vector.shape_cast %get3A_170 : vector<16xi32> to vector<16xi32>
      %slice3A_172 = vector.extract_strided_slice %get3A_171 {offsets = [0], sizes = [1], strides = [1]} : vector<16xi32> to vector<1xi32>
      %squeeze3A_173 = vector.extract %slice3A_172[0] : i32 from vector<1xi32>
      %ge3A_174 = arith.constant 0 : i32
      %ge3A_175 = arith.cmpi sge, %squeeze3A_173, %ge3A_174 : i32
      %convert_element_type3A_176 = arith.extui %ge3A_175 : i1 to i32
      %cond3A_177 = arith.constant 0 : i32
      %cond3A_178 = arith.cmpi ne, %convert_element_type3A_176, %cond3A_177 : i32
      scf.if %cond3A_178 {
        %dma_wait3A = arith.constant 0 : i32
        %dma_wait3A_303 = arith.constant 0 : i32
        %dma_wait3A_304 = arith.constant 0 : i32
        %dma_wait3A_305 = arith.constant 0 : i32
        %dma_wait3A_306 = tpu.memref_slice %arg7[%dma_wait3A_303, %dma_wait3A_304, %dma_wait3A_305] : memref<4x112x112xf32, #tpu.memory_space<vmem>> -> memref<1x112x112xf32, #tpu.memory_space<vmem>>
        %dma_wait3A_307 = tpu.memref_squeeze %dma_wait3A_306 : memref<1x112x112xf32, #tpu.memory_space<vmem>> -> memref<112x112xf32, #tpu.memory_space<vmem>>
        %dma_wait3A_308 = arith.constant 0 : i32
        %dma_wait3A_309 = arith.constant 0 : i32
        %dma_wait3A_310 = tpu.memref_slice %arg2[%dma_wait3A, %dma_wait3A_308, %dma_wait3A_309] : memref<1536x112x112xf32, #tpu.memory_space<hbm>> -> memref<1x112x112xf32, #tpu.memory_space<hbm>>
        %dma_wait3A_311 = tpu.memref_squeeze %dma_wait3A_310 : memref<1x112x112xf32, #tpu.memory_space<hbm>> -> memref<112x112xf32, #tpu.memory_space<hbm>>
        %dma_wait3A_312 = arith.constant 0 : i32
        %dma_wait3A_313 = arith.constant 0 : i32
        %dma_wait3A_314 = tpu.memref_slice %arg7[%dma_wait3A_303, %dma_wait3A_312, %dma_wait3A_313] : memref<4x112x112xf32, #tpu.memory_space<vmem>> -> memref<1x112x112xf32, #tpu.memory_space<vmem>>
        %dma_wait3A_315 = tpu.memref_squeeze %dma_wait3A_314 : memref<1x112x112xf32, #tpu.memory_space<vmem>> -> memref<112x112xf32, #tpu.memory_space<vmem>>
        %dma_wait3A_316 = arith.constant 0 : i32
        %dma_wait3A_317 = arith.constant 0 : i32
        %dma_wait3A_318 = tpu.memref_slice %arg2[%dma_wait3A, %dma_wait3A_316, %dma_wait3A_317] : memref<1536x112x112xf32, #tpu.memory_space<hbm>> -> memref<1x112x112xf32, #tpu.memory_space<hbm>>
        %dma_wait3A_319 = tpu.memref_squeeze %dma_wait3A_318 : memref<1x112x112xf32, #tpu.memory_space<hbm>> -> memref<112x112xf32, #tpu.memory_space<hbm>>
        tpu.wait_dma2 semaphore(%arg10 : memref<!tpu.dma_semaphore, #tpu.memory_space<semaphore_mem>>) src(%dma_wait3A_319 : memref<112x112xf32, #tpu.memory_space<hbm>>) dst(%dma_wait3A_315 : memref<112x112xf32, #tpu.memory_space<vmem>>)
      } else {
      }
      %slice3A_179 = vector.extract_strided_slice %get3A_171 {offsets = [1], sizes = [1], strides = [1]} : vector<16xi32> to vector<1xi32>
      %squeeze3A_180 = vector.extract %slice3A_179[0] : i32 from vector<1xi32>
      %ge3A_181 = arith.constant 0 : i32
      %ge3A_182 = arith.cmpi sge, %squeeze3A_180, %ge3A_181 : i32
      %convert_element_type3A_183 = arith.extui %ge3A_182 : i1 to i32
      %cond3A_184 = arith.constant 0 : i32
      %cond3A_185 = arith.cmpi ne, %convert_element_type3A_183, %cond3A_184 : i32
      scf.if %cond3A_185 {
        %dma_wait3A = arith.constant 0 : i32
        %dma_wait3A_303 = arith.constant 1 : i32
        %dma_wait3A_304 = arith.constant 0 : i32
        %dma_wait3A_305 = arith.constant 0 : i32
        %dma_wait3A_306 = tpu.memref_slice %arg7[%dma_wait3A_303, %dma_wait3A_304, %dma_wait3A_305] : memref<4x112x112xf32, #tpu.memory_space<vmem>> -> memref<1x112x112xf32, #tpu.memory_space<vmem>>
        %dma_wait3A_307 = tpu.memref_squeeze %dma_wait3A_306 : memref<1x112x112xf32, #tpu.memory_space<vmem>> -> memref<112x112xf32, #tpu.memory_space<vmem>>
        %dma_wait3A_308 = arith.constant 0 : i32
        %dma_wait3A_309 = arith.constant 0 : i32
        %dma_wait3A_310 = tpu.memref_slice %arg2[%dma_wait3A, %dma_wait3A_308, %dma_wait3A_309] : memref<1536x112x112xf32, #tpu.memory_space<hbm>> -> memref<1x112x112xf32, #tpu.memory_space<hbm>>
        %dma_wait3A_311 = tpu.memref_squeeze %dma_wait3A_310 : memref<1x112x112xf32, #tpu.memory_space<hbm>> -> memref<112x112xf32, #tpu.memory_space<hbm>>
        %dma_wait3A_312 = arith.constant 0 : i32
        %dma_wait3A_313 = arith.constant 0 : i32
        %dma_wait3A_314 = tpu.memref_slice %arg7[%dma_wait3A_303, %dma_wait3A_312, %dma_wait3A_313] : memref<4x112x112xf32, #tpu.memory_space<vmem>> -> memref<1x112x112xf32, #tpu.memory_space<vmem>>
        %dma_wait3A_315 = tpu.memref_squeeze %dma_wait3A_314 : memref<1x112x112xf32, #tpu.memory_space<vmem>> -> memref<112x112xf32, #tpu.memory_space<vmem>>
        %dma_wait3A_316 = arith.constant 0 : i32
        %dma_wait3A_317 = arith.constant 0 : i32
        %dma_wait3A_318 = tpu.memref_slice %arg2[%dma_wait3A, %dma_wait3A_316, %dma_wait3A_317] : memref<1536x112x112xf32, #tpu.memory_space<hbm>> -> memref<1x112x112xf32, #tpu.memory_space<hbm>>
        %dma_wait3A_319 = tpu.memref_squeeze %dma_wait3A_318 : memref<1x112x112xf32, #tpu.memory_space<hbm>> -> memref<112x112xf32, #tpu.memory_space<hbm>>
        tpu.wait_dma2 semaphore(%arg10 : memref<!tpu.dma_semaphore, #tpu.memory_space<semaphore_mem>>) src(%dma_wait3A_319 : memref<112x112xf32, #tpu.memory_space<hbm>>) dst(%dma_wait3A_315 : memref<112x112xf32, #tpu.memory_space<vmem>>)
      } else {
      }
      %slice3A_186 = vector.extract_strided_slice %get3A_171 {offsets = [2], sizes = [1], strides = [1]} : vector<16xi32> to vector<1xi32>
      %squeeze3A_187 = vector.extract %slice3A_186[0] : i32 from vector<1xi32>
      %ge3A_188 = arith.constant 0 : i32
      %ge3A_189 = arith.cmpi sge, %squeeze3A_187, %ge3A_188 : i32
      %convert_element_type3A_190 = arith.extui %ge3A_189 : i1 to i32
      %cond3A_191 = arith.constant 0 : i32
      %cond3A_192 = arith.cmpi ne, %convert_element_type3A_190, %cond3A_191 : i32
      scf.if %cond3A_192 {
        %dma_wait3A = arith.constant 0 : i32
        %dma_wait3A_303 = arith.constant 2 : i32
        %dma_wait3A_304 = arith.constant 0 : i32
        %dma_wait3A_305 = arith.constant 0 : i32
        %dma_wait3A_306 = tpu.memref_slice %arg7[%dma_wait3A_303, %dma_wait3A_304, %dma_wait3A_305] : memref<4x112x112xf32, #tpu.memory_space<vmem>> -> memref<1x112x112xf32, #tpu.memory_space<vmem>>
        %dma_wait3A_307 = tpu.memref_squeeze %dma_wait3A_306 : memref<1x112x112xf32, #tpu.memory_space<vmem>> -> memref<112x112xf32, #tpu.memory_space<vmem>>
        %dma_wait3A_308 = arith.constant 0 : i32
        %dma_wait3A_309 = arith.constant 0 : i32
        %dma_wait3A_310 = tpu.memref_slice %arg2[%dma_wait3A, %dma_wait3A_308, %dma_wait3A_309] : memref<1536x112x112xf32, #tpu.memory_space<hbm>> -> memref<1x112x112xf32, #tpu.memory_space<hbm>>
        %dma_wait3A_311 = tpu.memref_squeeze %dma_wait3A_310 : memref<1x112x112xf32, #tpu.memory_space<hbm>> -> memref<112x112xf32, #tpu.memory_space<hbm>>
        %dma_wait3A_312 = arith.constant 0 : i32
        %dma_wait3A_313 = arith.constant 0 : i32
        %dma_wait3A_314 = tpu.memref_slice %arg7[%dma_wait3A_303, %dma_wait3A_312, %dma_wait3A_313] : memref<4x112x112xf32, #tpu.memory_space<vmem>> -> memref<1x112x112xf32, #tpu.memory_space<vmem>>
        %dma_wait3A_315 = tpu.memref_squeeze %dma_wait3A_314 : memref<1x112x112xf32, #tpu.memory_space<vmem>> -> memref<112x112xf32, #tpu.memory_space<vmem>>
        %dma_wait3A_316 = arith.constant 0 : i32
        %dma_wait3A_317 = arith.constant 0 : i32
        %dma_wait3A_318 = tpu.memref_slice %arg2[%dma_wait3A, %dma_wait3A_316, %dma_wait3A_317] : memref<1536x112x112xf32, #tpu.memory_space<hbm>> -> memref<1x112x112xf32, #tpu.memory_space<hbm>>
        %dma_wait3A_319 = tpu.memref_squeeze %dma_wait3A_318 : memref<1x112x112xf32, #tpu.memory_space<hbm>> -> memref<112x112xf32, #tpu.memory_space<hbm>>
        tpu.wait_dma2 semaphore(%arg10 : memref<!tpu.dma_semaphore, #tpu.memory_space<semaphore_mem>>) src(%dma_wait3A_319 : memref<112x112xf32, #tpu.memory_space<hbm>>) dst(%dma_wait3A_315 : memref<112x112xf32, #tpu.memory_space<vmem>>)
      } else {
      }
      %slice3A_193 = vector.extract_strided_slice %get3A_171 {offsets = [3], sizes = [1], strides = [1]} : vector<16xi32> to vector<1xi32>
      %squeeze3A_194 = vector.extract %slice3A_193[0] : i32 from vector<1xi32>
      %ge3A_195 = arith.constant 0 : i32
      %ge3A_196 = arith.cmpi sge, %squeeze3A_194, %ge3A_195 : i32
      %convert_element_type3A_197 = arith.extui %ge3A_196 : i1 to i32
      %cond3A_198 = arith.constant 0 : i32
      %cond3A_199 = arith.cmpi ne, %convert_element_type3A_197, %cond3A_198 : i32
      scf.if %cond3A_199 {
        %dma_wait3A = arith.constant 0 : i32
        %dma_wait3A_303 = arith.constant 3 : i32
        %dma_wait3A_304 = arith.constant 0 : i32
        %dma_wait3A_305 = arith.constant 0 : i32
        %dma_wait3A_306 = tpu.memref_slice %arg7[%dma_wait3A_303, %dma_wait3A_304, %dma_wait3A_305] : memref<4x112x112xf32, #tpu.memory_space<vmem>> -> memref<1x112x112xf32, #tpu.memory_space<vmem>>
        %dma_wait3A_307 = tpu.memref_squeeze %dma_wait3A_306 : memref<1x112x112xf32, #tpu.memory_space<vmem>> -> memref<112x112xf32, #tpu.memory_space<vmem>>
        %dma_wait3A_308 = arith.constant 0 : i32
        %dma_wait3A_309 = arith.constant 0 : i32
        %dma_wait3A_310 = tpu.memref_slice %arg2[%dma_wait3A, %dma_wait3A_308, %dma_wait3A_309] : memref<1536x112x112xf32, #tpu.memory_space<hbm>> -> memref<1x112x112xf32, #tpu.memory_space<hbm>>
        %dma_wait3A_311 = tpu.memref_squeeze %dma_wait3A_310 : memref<1x112x112xf32, #tpu.memory_space<hbm>> -> memref<112x112xf32, #tpu.memory_space<hbm>>
        %dma_wait3A_312 = arith.constant 0 : i32
        %dma_wait3A_313 = arith.constant 0 : i32
        %dma_wait3A_314 = tpu.memref_slice %arg7[%dma_wait3A_303, %dma_wait3A_312, %dma_wait3A_313] : memref<4x112x112xf32, #tpu.memory_space<vmem>> -> memref<1x112x112xf32, #tpu.memory_space<vmem>>
        %dma_wait3A_315 = tpu.memref_squeeze %dma_wait3A_314 : memref<1x112x112xf32, #tpu.memory_space<vmem>> -> memref<112x112xf32, #tpu.memory_space<vmem>>
        %dma_wait3A_316 = arith.constant 0 : i32
        %dma_wait3A_317 = arith.constant 0 : i32
        %dma_wait3A_318 = tpu.memref_slice %arg2[%dma_wait3A, %dma_wait3A_316, %dma_wait3A_317] : memref<1536x112x112xf32, #tpu.memory_space<hbm>> -> memref<1x112x112xf32, #tpu.memory_space<hbm>>
        %dma_wait3A_319 = tpu.memref_squeeze %dma_wait3A_318 : memref<1x112x112xf32, #tpu.memory_space<hbm>> -> memref<112x112xf32, #tpu.memory_space<hbm>>
        tpu.wait_dma2 semaphore(%arg10 : memref<!tpu.dma_semaphore, #tpu.memory_space<semaphore_mem>>) src(%dma_wait3A_319 : memref<112x112xf32, #tpu.memory_space<hbm>>) dst(%dma_wait3A_315 : memref<112x112xf32, #tpu.memory_space<vmem>>)
      } else {
      }
      %mul3A_200 = arith.constant 16 : i32
      %mul3A_201 = arith.muli %add3A_166, %mul3A_200 : i32
      %get3A_202 = arith.index_cast %mul3A_201 : i32 to index
      %get3A_203 = tpu.vector_load %arg6[%get3A_202] {strides = array<i32>} : memref<384xi32, #tpu.memory_space<vmem>>, vector<16xi32>,
      %get3A_204 = vector.shape_cast %get3A_203 : vector<16xi32> to vector<16xi32>
      %slice3A_205 = vector.extract_strided_slice %get3A_204 {offsets = [0], sizes = [1], strides = [1]} : vector<16xi32> to vector<1xi32>
      %squeeze3A_206 = vector.extract %slice3A_205[0] : i32 from vector<1xi32>
      %ge3A_207 = arith.constant 0 : i32
      %ge3A_208 = arith.cmpi sge, %squeeze3A_206, %ge3A_207 : i32
      %convert_element_type3A_209 = arith.extui %ge3A_208 : i1 to i32
      %cond3A_210 = arith.constant 0 : i32
      %cond3A_211 = arith.cmpi ne, %convert_element_type3A_209, %cond3A_210 : i32
      scf.if %cond3A_211 {
        %mul3A_303 = arith.constant 4 : i32
        %mul3A_304 = arith.muli %add3A_166, %mul3A_303 : i32
        %add3A_305 = arith.addi %mul3A_2, %mul3A_304 : i32
        %add3A_306 = arith.constant 0 : i32
        %add3A_307 = arith.addi %add3A_305, %add3A_306 : i32
        %dma_start3A = arith.constant 0 : i32
        %dma_start3A_308 = arith.constant 0 : i32
        %dma_start3A_309 = arith.constant 0 : i32
        %dma_start3A_310 = tpu.memref_slice %arg7[%dma_start3A, %dma_start3A_308, %dma_start3A_309] : memref<4x112x112xf32, #tpu.memory_space<vmem>> -> memref<1x112x112xf32, #tpu.memory_space<vmem>>
        %dma_start3A_311 = tpu.memref_squeeze %dma_start3A_310 : memref<1x112x112xf32, #tpu.memory_space<vmem>> -> memref<112x112xf32, #tpu.memory_space<vmem>>
        %dma_start3A_312 = arith.constant 0 : i32
        %dma_start3A_313 = arith.constant 0 : i32
        %dma_start3A_314 = tpu.memref_slice %arg5[%add3A_307, %dma_start3A_312, %dma_start3A_313] : memref<3072x112x112xf32, #tpu.memory_space<hbm>> -> memref<1x112x112xf32, #tpu.memory_space<hbm>>
        %dma_start3A_315 = tpu.memref_squeeze %dma_start3A_314 : memref<1x112x112xf32, #tpu.memory_space<hbm>> -> memref<112x112xf32, #tpu.memory_space<hbm>>
        %dma_start3A_316 = arith.constant 0 : i32
        %dma_start3A_317 = arith.constant 0 : i32
        %dma_start3A_318 = tpu.memref_slice %arg5[%add3A_307, %dma_start3A_316, %dma_start3A_317] : memref<3072x112x112xf32, #tpu.memory_space<hbm>> -> memref<1x112x112xf32, #tpu.memory_space<hbm>>
        %dma_start3A_319 = tpu.memref_squeeze %dma_start3A_318 : memref<1x112x112xf32, #tpu.memory_space<hbm>> -> memref<112x112xf32, #tpu.memory_space<hbm>>
        %dma_start3A_320 = arith.constant 0 : i32
        %dma_start3A_321 = arith.constant 0 : i32
        %dma_start3A_322 = tpu.memref_slice %arg7[%dma_start3A, %dma_start3A_320, %dma_start3A_321] : memref<4x112x112xf32, #tpu.memory_space<vmem>> -> memref<1x112x112xf32, #tpu.memory_space<vmem>>
        %dma_start3A_323 = tpu.memref_squeeze %dma_start3A_322 : memref<1x112x112xf32, #tpu.memory_space<vmem>> -> memref<112x112xf32, #tpu.memory_space<vmem>>
        tpu.enqueue_dma source(%dma_start3A_323 : memref<112x112xf32, #tpu.memory_space<vmem>>) target(%dma_start3A_319 : memref<112x112xf32, #tpu.memory_space<hbm>>) target_semaphore(%arg11 : memref<!tpu.dma_semaphore, #tpu.memory_space<semaphore_mem>>)
      } else {
      }
      %slice3A_212 = vector.extract_strided_slice %get3A_204 {offsets = [1], sizes = [1], strides = [1]} : vector<16xi32> to vector<1xi32>
      %squeeze3A_213 = vector.extract %slice3A_212[0] : i32 from vector<1xi32>
      %ge3A_214 = arith.constant 0 : i32
      %ge3A_215 = arith.cmpi sge, %squeeze3A_213, %ge3A_214 : i32
      %convert_element_type3A_216 = arith.extui %ge3A_215 : i1 to i32
      %cond3A_217 = arith.constant 0 : i32
      %cond3A_218 = arith.cmpi ne, %convert_element_type3A_216, %cond3A_217 : i32
      scf.if %cond3A_218 {
        %mul3A_303 = arith.constant 4 : i32
        %mul3A_304 = arith.muli %add3A_166, %mul3A_303 : i32
        %add3A_305 = arith.addi %mul3A_2, %mul3A_304 : i32
        %add3A_306 = arith.constant 1 : i32
        %add3A_307 = arith.addi %add3A_305, %add3A_306 : i32
        %dma_start3A = arith.constant 1 : i32
        %dma_start3A_308 = arith.constant 0 : i32
        %dma_start3A_309 = arith.constant 0 : i32
        %dma_start3A_310 = tpu.memref_slice %arg7[%dma_start3A, %dma_start3A_308, %dma_start3A_309] : memref<4x112x112xf32, #tpu.memory_space<vmem>> -> memref<1x112x112xf32, #tpu.memory_space<vmem>>
        %dma_start3A_311 = tpu.memref_squeeze %dma_start3A_310 : memref<1x112x112xf32, #tpu.memory_space<vmem>> -> memref<112x112xf32, #tpu.memory_space<vmem>>
        %dma_start3A_312 = arith.constant 0 : i32
        %dma_start3A_313 = arith.constant 0 : i32
        %dma_start3A_314 = tpu.memref_slice %arg5[%add3A_307, %dma_start3A_312, %dma_start3A_313] : memref<3072x112x112xf32, #tpu.memory_space<hbm>> -> memref<1x112x112xf32, #tpu.memory_space<hbm>>
        %dma_start3A_315 = tpu.memref_squeeze %dma_start3A_314 : memref<1x112x112xf32, #tpu.memory_space<hbm>> -> memref<112x112xf32, #tpu.memory_space<hbm>>
        %dma_start3A_316 = arith.constant 0 : i32
        %dma_start3A_317 = arith.constant 0 : i32
        %dma_start3A_318 = tpu.memref_slice %arg5[%add3A_307, %dma_start3A_316, %dma_start3A_317] : memref<3072x112x112xf32, #tpu.memory_space<hbm>> -> memref<1x112x112xf32, #tpu.memory_space<hbm>>
        %dma_start3A_319 = tpu.memref_squeeze %dma_start3A_318 : memref<1x112x112xf32, #tpu.memory_space<hbm>> -> memref<112x112xf32, #tpu.memory_space<hbm>>
        %dma_start3A_320 = arith.constant 0 : i32
        %dma_start3A_321 = arith.constant 0 : i32
        %dma_start3A_322 = tpu.memref_slice %arg7[%dma_start3A, %dma_start3A_320, %dma_start3A_321] : memref<4x112x112xf32, #tpu.memory_space<vmem>> -> memref<1x112x112xf32, #tpu.memory_space<vmem>>
        %dma_start3A_323 = tpu.memref_squeeze %dma_start3A_322 : memref<1x112x112xf32, #tpu.memory_space<vmem>> -> memref<112x112xf32, #tpu.memory_space<vmem>>
        tpu.enqueue_dma source(%dma_start3A_323 : memref<112x112xf32, #tpu.memory_space<vmem>>) target(%dma_start3A_319 : memref<112x112xf32, #tpu.memory_space<hbm>>) target_semaphore(%arg11 : memref<!tpu.dma_semaphore, #tpu.memory_space<semaphore_mem>>)
      } else {
      }
      %slice3A_219 = vector.extract_strided_slice %get3A_204 {offsets = [2], sizes = [1], strides = [1]} : vector<16xi32> to vector<1xi32>
      %squeeze3A_220 = vector.extract %slice3A_219[0] : i32 from vector<1xi32>
      %ge3A_221 = arith.constant 0 : i32
      %ge3A_222 = arith.cmpi sge, %squeeze3A_220, %ge3A_221 : i32
      %convert_element_type3A_223 = arith.extui %ge3A_222 : i1 to i32
      %cond3A_224 = arith.constant 0 : i32
      %cond3A_225 = arith.cmpi ne, %convert_element_type3A_223, %cond3A_224 : i32
      scf.if %cond3A_225 {
        %mul3A_303 = arith.constant 4 : i32
        %mul3A_304 = arith.muli %add3A_166, %mul3A_303 : i32
        %add3A_305 = arith.addi %mul3A_2, %mul3A_304 : i32
        %add3A_306 = arith.constant 2 : i32
        %add3A_307 = arith.addi %add3A_305, %add3A_306 : i32
        %dma_start3A = arith.constant 2 : i32
        %dma_start3A_308 = arith.constant 0 : i32
        %dma_start3A_309 = arith.constant 0 : i32
        %dma_start3A_310 = tpu.memref_slice %arg7[%dma_start3A, %dma_start3A_308, %dma_start3A_309] : memref<4x112x112xf32, #tpu.memory_space<vmem>> -> memref<1x112x112xf32, #tpu.memory_space<vmem>>
        %dma_start3A_311 = tpu.memref_squeeze %dma_start3A_310 : memref<1x112x112xf32, #tpu.memory_space<vmem>> -> memref<112x112xf32, #tpu.memory_space<vmem>>
        %dma_start3A_312 = arith.constant 0 : i32
        %dma_start3A_313 = arith.constant 0 : i32
        %dma_start3A_314 = tpu.memref_slice %arg5[%add3A_307, %dma_start3A_312, %dma_start3A_313] : memref<3072x112x112xf32, #tpu.memory_space<hbm>> -> memref<1x112x112xf32, #tpu.memory_space<hbm>>
        %dma_start3A_315 = tpu.memref_squeeze %dma_start3A_314 : memref<1x112x112xf32, #tpu.memory_space<hbm>> -> memref<112x112xf32, #tpu.memory_space<hbm>>
        %dma_start3A_316 = arith.constant 0 : i32
        %dma_start3A_317 = arith.constant 0 : i32
        %dma_start3A_318 = tpu.memref_slice %arg5[%add3A_307, %dma_start3A_316, %dma_start3A_317] : memref<3072x112x112xf32, #tpu.memory_space<hbm>> -> memref<1x112x112xf32, #tpu.memory_space<hbm>>
        %dma_start3A_319 = tpu.memref_squeeze %dma_start3A_318 : memref<1x112x112xf32, #tpu.memory_space<hbm>> -> memref<112x112xf32, #tpu.memory_space<hbm>>
        %dma_start3A_320 = arith.constant 0 : i32
        %dma_start3A_321 = arith.constant 0 : i32
        %dma_start3A_322 = tpu.memref_slice %arg7[%dma_start3A, %dma_start3A_320, %dma_start3A_321] : memref<4x112x112xf32, #tpu.memory_space<vmem>> -> memref<1x112x112xf32, #tpu.memory_space<vmem>>
        %dma_start3A_323 = tpu.memref_squeeze %dma_start3A_322 : memref<1x112x112xf32, #tpu.memory_space<vmem>> -> memref<112x112xf32, #tpu.memory_space<vmem>>
        tpu.enqueue_dma source(%dma_start3A_323 : memref<112x112xf32, #tpu.memory_space<vmem>>) target(%dma_start3A_319 : memref<112x112xf32, #tpu.memory_space<hbm>>) target_semaphore(%arg11 : memref<!tpu.dma_semaphore, #tpu.memory_space<semaphore_mem>>)
      } else {
      }
      %slice3A_226 = vector.extract_strided_slice %get3A_204 {offsets = [3], sizes = [1], strides = [1]} : vector<16xi32> to vector<1xi32>
      %squeeze3A_227 = vector.extract %slice3A_226[0] : i32 from vector<1xi32>
      %ge3A_228 = arith.constant 0 : i32
      %ge3A_229 = arith.cmpi sge, %squeeze3A_227, %ge3A_228 : i32
      %convert_element_type3A_230 = arith.extui %ge3A_229 : i1 to i32
      %cond3A_231 = arith.constant 0 : i32
      %cond3A_232 = arith.cmpi ne, %convert_element_type3A_230, %cond3A_231 : i32
      scf.if %cond3A_232 {
        %mul3A_303 = arith.constant 4 : i32
        %mul3A_304 = arith.muli %add3A_166, %mul3A_303 : i32
        %add3A_305 = arith.addi %mul3A_2, %mul3A_304 : i32
        %add3A_306 = arith.constant 3 : i32
        %add3A_307 = arith.addi %add3A_305, %add3A_306 : i32
        %dma_start3A = arith.constant 3 : i32
        %dma_start3A_308 = arith.constant 0 : i32
        %dma_start3A_309 = arith.constant 0 : i32
        %dma_start3A_310 = tpu.memref_slice %arg7[%dma_start3A, %dma_start3A_308, %dma_start3A_309] : memref<4x112x112xf32, #tpu.memory_space<vmem>> -> memref<1x112x112xf32, #tpu.memory_space<vmem>>
        %dma_start3A_311 = tpu.memref_squeeze %dma_start3A_310 : memref<1x112x112xf32, #tpu.memory_space<vmem>> -> memref<112x112xf32, #tpu.memory_space<vmem>>
        %dma_start3A_312 = arith.constant 0 : i32
        %dma_start3A_313 = arith.constant 0 : i32
        %dma_start3A_314 = tpu.memref_slice %arg5[%add3A_307, %dma_start3A_312, %dma_start3A_313] : memref<3072x112x112xf32, #tpu.memory_space<hbm>> -> memref<1x112x112xf32, #tpu.memory_space<hbm>>
        %dma_start3A_315 = tpu.memref_squeeze %dma_start3A_314 : memref<1x112x112xf32, #tpu.memory_space<hbm>> -> memref<112x112xf32, #tpu.memory_space<hbm>>
        %dma_start3A_316 = arith.constant 0 : i32
        %dma_start3A_317 = arith.constant 0 : i32
        %dma_start3A_318 = tpu.memref_slice %arg5[%add3A_307, %dma_start3A_316, %dma_start3A_317] : memref<3072x112x112xf32, #tpu.memory_space<hbm>> -> memref<1x112x112xf32, #tpu.memory_space<hbm>>
        %dma_start3A_319 = tpu.memref_squeeze %dma_start3A_318 : memref<1x112x112xf32, #tpu.memory_space<hbm>> -> memref<112x112xf32, #tpu.memory_space<hbm>>
        %dma_start3A_320 = arith.constant 0 : i32
        %dma_start3A_321 = arith.constant 0 : i32
        %dma_start3A_322 = tpu.memref_slice %arg7[%dma_start3A, %dma_start3A_320, %dma_start3A_321] : memref<4x112x112xf32, #tpu.memory_space<vmem>> -> memref<1x112x112xf32, #tpu.memory_space<vmem>>
        %dma_start3A_323 = tpu.memref_squeeze %dma_start3A_322 : memref<1x112x112xf32, #tpu.memory_space<vmem>> -> memref<112x112xf32, #tpu.memory_space<vmem>>
        tpu.enqueue_dma source(%dma_start3A_323 : memref<112x112xf32, #tpu.memory_space<vmem>>) target(%dma_start3A_319 : memref<112x112xf32, #tpu.memory_space<hbm>>) target_semaphore(%arg11 : memref<!tpu.dma_semaphore, #tpu.memory_space<semaphore_mem>>)
      } else {
      }
      %mul3A_233 = arith.constant 2 : i32
      %mul3A_234 = arith.muli %mul3A_233, %scan3A_73 : i32
      %add3A_235 = arith.constant 1 : i32
      %add3A_236 = arith.addi %mul3A_234, %add3A_235 : i32
      %mul3A_237 = arith.constant 16 : i32
      %mul3A_238 = arith.muli %add3A_236, %mul3A_237 : i32
      %get3A_239 = arith.index_cast %mul3A_238 : i32 to index
      %get3A_240 = tpu.vector_load %arg6[%get3A_239] {strides = array<i32>} : memref<384xi32, #tpu.memory_space<vmem>>, vector<16xi32>,
      %get3A_241 = vector.shape_cast %get3A_240 : vector<16xi32> to vector<16xi32>
      %slice3A_242 = vector.extract_strided_slice %get3A_241 {offsets = [0], sizes = [1], strides = [1]} : vector<16xi32> to vector<1xi32>
      %squeeze3A_243 = vector.extract %slice3A_242[0] : i32 from vector<1xi32>
      %ge3A_244 = arith.constant 0 : i32
      %ge3A_245 = arith.cmpi sge, %squeeze3A_243, %ge3A_244 : i32
      %convert_element_type3A_246 = arith.extui %ge3A_245 : i1 to i32
      %cond3A_247 = arith.constant 0 : i32
      %cond3A_248 = arith.cmpi ne, %convert_element_type3A_246, %cond3A_247 : i32
      scf.if %cond3A_248 {
        %dma_wait3A = arith.constant 0 : i32
        %dma_wait3A_303 = arith.constant 0 : i32
        %dma_wait3A_304 = arith.constant 0 : i32
        %dma_wait3A_305 = arith.constant 0 : i32
        %dma_wait3A_306 = tpu.memref_slice %arg8[%dma_wait3A_303, %dma_wait3A_304, %dma_wait3A_305] : memref<4x112x112xf32, #tpu.memory_space<vmem>> -> memref<1x112x112xf32, #tpu.memory_space<vmem>>
        %dma_wait3A_307 = tpu.memref_squeeze %dma_wait3A_306 : memref<1x112x112xf32, #tpu.memory_space<vmem>> -> memref<112x112xf32, #tpu.memory_space<vmem>>
        %dma_wait3A_308 = arith.constant 0 : i32
        %dma_wait3A_309 = arith.constant 0 : i32
        %dma_wait3A_310 = tpu.memref_slice %arg2[%dma_wait3A, %dma_wait3A_308, %dma_wait3A_309] : memref<1536x112x112xf32, #tpu.memory_space<hbm>> -> memref<1x112x112xf32, #tpu.memory_space<hbm>>
        %dma_wait3A_311 = tpu.memref_squeeze %dma_wait3A_310 : memref<1x112x112xf32, #tpu.memory_space<hbm>> -> memref<112x112xf32, #tpu.memory_space<hbm>>
        %dma_wait3A_312 = arith.constant 0 : i32
        %dma_wait3A_313 = arith.constant 0 : i32
        %dma_wait3A_314 = tpu.memref_slice %arg8[%dma_wait3A_303, %dma_wait3A_312, %dma_wait3A_313] : memref<4x112x112xf32, #tpu.memory_space<vmem>> -> memref<1x112x112xf32, #tpu.memory_space<vmem>>
        %dma_wait3A_315 = tpu.memref_squeeze %dma_wait3A_314 : memref<1x112x112xf32, #tpu.memory_space<vmem>> -> memref<112x112xf32, #tpu.memory_space<vmem>>
        %dma_wait3A_316 = arith.constant 0 : i32
        %dma_wait3A_317 = arith.constant 0 : i32
        %dma_wait3A_318 = tpu.memref_slice %arg2[%dma_wait3A, %dma_wait3A_316, %dma_wait3A_317] : memref<1536x112x112xf32, #tpu.memory_space<hbm>> -> memref<1x112x112xf32, #tpu.memory_space<hbm>>
        %dma_wait3A_319 = tpu.memref_squeeze %dma_wait3A_318 : memref<1x112x112xf32, #tpu.memory_space<hbm>> -> memref<112x112xf32, #tpu.memory_space<hbm>>
        tpu.wait_dma2 semaphore(%arg10 : memref<!tpu.dma_semaphore, #tpu.memory_space<semaphore_mem>>) src(%dma_wait3A_319 : memref<112x112xf32, #tpu.memory_space<hbm>>) dst(%dma_wait3A_315 : memref<112x112xf32, #tpu.memory_space<vmem>>)
      } else {
      }
      %slice3A_249 = vector.extract_strided_slice %get3A_241 {offsets = [1], sizes = [1], strides = [1]} : vector<16xi32> to vector<1xi32>
      %squeeze3A_250 = vector.extract %slice3A_249[0] : i32 from vector<1xi32>
      %ge3A_251 = arith.constant 0 : i32
      %ge3A_252 = arith.cmpi sge, %squeeze3A_250, %ge3A_251 : i32
      %convert_element_type3A_253 = arith.extui %ge3A_252 : i1 to i32
      %cond3A_254 = arith.constant 0 : i32
      %cond3A_255 = arith.cmpi ne, %convert_element_type3A_253, %cond3A_254 : i32
      scf.if %cond3A_255 {
        %dma_wait3A = arith.constant 0 : i32
        %dma_wait3A_303 = arith.constant 1 : i32
        %dma_wait3A_304 = arith.constant 0 : i32
        %dma_wait3A_305 = arith.constant 0 : i32
        %dma_wait3A_306 = tpu.memref_slice %arg8[%dma_wait3A_303, %dma_wait3A_304, %dma_wait3A_305] : memref<4x112x112xf32, #tpu.memory_space<vmem>> -> memref<1x112x112xf32, #tpu.memory_space<vmem>>
        %dma_wait3A_307 = tpu.memref_squeeze %dma_wait3A_306 : memref<1x112x112xf32, #tpu.memory_space<vmem>> -> memref<112x112xf32, #tpu.memory_space<vmem>>
        %dma_wait3A_308 = arith.constant 0 : i32
        %dma_wait3A_309 = arith.constant 0 : i32
        %dma_wait3A_310 = tpu.memref_slice %arg2[%dma_wait3A, %dma_wait3A_308, %dma_wait3A_309] : memref<1536x112x112xf32, #tpu.memory_space<hbm>> -> memref<1x112x112xf32, #tpu.memory_space<hbm>>
        %dma_wait3A_311 = tpu.memref_squeeze %dma_wait3A_310 : memref<1x112x112xf32, #tpu.memory_space<hbm>> -> memref<112x112xf32, #tpu.memory_space<hbm>>
        %dma_wait3A_312 = arith.constant 0 : i32
        %dma_wait3A_313 = arith.constant 0 : i32
        %dma_wait3A_314 = tpu.memref_slice %arg8[%dma_wait3A_303, %dma_wait3A_312, %dma_wait3A_313] : memref<4x112x112xf32, #tpu.memory_space<vmem>> -> memref<1x112x112xf32, #tpu.memory_space<vmem>>
        %dma_wait3A_315 = tpu.memref_squeeze %dma_wait3A_314 : memref<1x112x112xf32, #tpu.memory_space<vmem>> -> memref<112x112xf32, #tpu.memory_space<vmem>>
        %dma_wait3A_316 = arith.constant 0 : i32
        %dma_wait3A_317 = arith.constant 0 : i32
        %dma_wait3A_318 = tpu.memref_slice %arg2[%dma_wait3A, %dma_wait3A_316, %dma_wait3A_317] : memref<1536x112x112xf32, #tpu.memory_space<hbm>> -> memref<1x112x112xf32, #tpu.memory_space<hbm>>
        %dma_wait3A_319 = tpu.memref_squeeze %dma_wait3A_318 : memref<1x112x112xf32, #tpu.memory_space<hbm>> -> memref<112x112xf32, #tpu.memory_space<hbm>>
        tpu.wait_dma2 semaphore(%arg10 : memref<!tpu.dma_semaphore, #tpu.memory_space<semaphore_mem>>) src(%dma_wait3A_319 : memref<112x112xf32, #tpu.memory_space<hbm>>) dst(%dma_wait3A_315 : memref<112x112xf32, #tpu.memory_space<vmem>>)
      } else {
      }
      %slice3A_256 = vector.extract_strided_slice %get3A_241 {offsets = [2], sizes = [1], strides = [1]} : vector<16xi32> to vector<1xi32>
      %squeeze3A_257 = vector.extract %slice3A_256[0] : i32 from vector<1xi32>
      %ge3A_258 = arith.constant 0 : i32
      %ge3A_259 = arith.cmpi sge, %squeeze3A_257, %ge3A_258 : i32
      %convert_element_type3A_260 = arith.extui %ge3A_259 : i1 to i32
      %cond3A_261 = arith.constant 0 : i32
      %cond3A_262 = arith.cmpi ne, %convert_element_type3A_260, %cond3A_261 : i32
      scf.if %cond3A_262 {
        %dma_wait3A = arith.constant 0 : i32
        %dma_wait3A_303 = arith.constant 2 : i32
        %dma_wait3A_304 = arith.constant 0 : i32
        %dma_wait3A_305 = arith.constant 0 : i32
        %dma_wait3A_306 = tpu.memref_slice %arg8[%dma_wait3A_303, %dma_wait3A_304, %dma_wait3A_305] : memref<4x112x112xf32, #tpu.memory_space<vmem>> -> memref<1x112x112xf32, #tpu.memory_space<vmem>>
        %dma_wait3A_307 = tpu.memref_squeeze %dma_wait3A_306 : memref<1x112x112xf32, #tpu.memory_space<vmem>> -> memref<112x112xf32, #tpu.memory_space<vmem>>
        %dma_wait3A_308 = arith.constant 0 : i32
        %dma_wait3A_309 = arith.constant 0 : i32
        %dma_wait3A_310 = tpu.memref_slice %arg2[%dma_wait3A, %dma_wait3A_308, %dma_wait3A_309] : memref<1536x112x112xf32, #tpu.memory_space<hbm>> -> memref<1x112x112xf32, #tpu.memory_space<hbm>>
        %dma_wait3A_311 = tpu.memref_squeeze %dma_wait3A_310 : memref<1x112x112xf32, #tpu.memory_space<hbm>> -> memref<112x112xf32, #tpu.memory_space<hbm>>
        %dma_wait3A_312 = arith.constant 0 : i32
        %dma_wait3A_313 = arith.constant 0 : i32
        %dma_wait3A_314 = tpu.memref_slice %arg8[%dma_wait3A_303, %dma_wait3A_312, %dma_wait3A_313] : memref<4x112x112xf32, #tpu.memory_space<vmem>> -> memref<1x112x112xf32, #tpu.memory_space<vmem>>
        %dma_wait3A_315 = tpu.memref_squeeze %dma_wait3A_314 : memref<1x112x112xf32, #tpu.memory_space<vmem>> -> memref<112x112xf32, #tpu.memory_space<vmem>>
        %dma_wait3A_316 = arith.constant 0 : i32
        %dma_wait3A_317 = arith.constant 0 : i32
        %dma_wait3A_318 = tpu.memref_slice %arg2[%dma_wait3A, %dma_wait3A_316, %dma_wait3A_317] : memref<1536x112x112xf32, #tpu.memory_space<hbm>> -> memref<1x112x112xf32, #tpu.memory_space<hbm>>
        %dma_wait3A_319 = tpu.memref_squeeze %dma_wait3A_318 : memref<1x112x112xf32, #tpu.memory_space<hbm>> -> memref<112x112xf32, #tpu.memory_space<hbm>>
        tpu.wait_dma2 semaphore(%arg10 : memref<!tpu.dma_semaphore, #tpu.memory_space<semaphore_mem>>) src(%dma_wait3A_319 : memref<112x112xf32, #tpu.memory_space<hbm>>) dst(%dma_wait3A_315 : memref<112x112xf32, #tpu.memory_space<vmem>>)
      } else {
      }
      %slice3A_263 = vector.extract_strided_slice %get3A_241 {offsets = [3], sizes = [1], strides = [1]} : vector<16xi32> to vector<1xi32>
      %squeeze3A_264 = vector.extract %slice3A_263[0] : i32 from vector<1xi32>
      %ge3A_265 = arith.constant 0 : i32
      %ge3A_266 = arith.cmpi sge, %squeeze3A_264, %ge3A_265 : i32
      %convert_element_type3A_267 = arith.extui %ge3A_266 : i1 to i32
      %cond3A_268 = arith.constant 0 : i32
      %cond3A_269 = arith.cmpi ne, %convert_element_type3A_267, %cond3A_268 : i32
      scf.if %cond3A_269 {
        %dma_wait3A = arith.constant 0 : i32
        %dma_wait3A_303 = arith.constant 3 : i32
        %dma_wait3A_304 = arith.constant 0 : i32
        %dma_wait3A_305 = arith.constant 0 : i32
        %dma_wait3A_306 = tpu.memref_slice %arg8[%dma_wait3A_303, %dma_wait3A_304, %dma_wait3A_305] : memref<4x112x112xf32, #tpu.memory_space<vmem>> -> memref<1x112x112xf32, #tpu.memory_space<vmem>>
        %dma_wait3A_307 = tpu.memref_squeeze %dma_wait3A_306 : memref<1x112x112xf32, #tpu.memory_space<vmem>> -> memref<112x112xf32, #tpu.memory_space<vmem>>
        %dma_wait3A_308 = arith.constant 0 : i32
        %dma_wait3A_309 = arith.constant 0 : i32
        %dma_wait3A_310 = tpu.memref_slice %arg2[%dma_wait3A, %dma_wait3A_308, %dma_wait3A_309] : memref<1536x112x112xf32, #tpu.memory_space<hbm>> -> memref<1x112x112xf32, #tpu.memory_space<hbm>>
        %dma_wait3A_311 = tpu.memref_squeeze %dma_wait3A_310 : memref<1x112x112xf32, #tpu.memory_space<hbm>> -> memref<112x112xf32, #tpu.memory_space<hbm>>
        %dma_wait3A_312 = arith.constant 0 : i32
        %dma_wait3A_313 = arith.constant 0 : i32
        %dma_wait3A_314 = tpu.memref_slice %arg8[%dma_wait3A_303, %dma_wait3A_312, %dma_wait3A_313] : memref<4x112x112xf32, #tpu.memory_space<vmem>> -> memref<1x112x112xf32, #tpu.memory_space<vmem>>
        %dma_wait3A_315 = tpu.memref_squeeze %dma_wait3A_314 : memref<1x112x112xf32, #tpu.memory_space<vmem>> -> memref<112x112xf32, #tpu.memory_space<vmem>>
        %dma_wait3A_316 = arith.constant 0 : i32
        %dma_wait3A_317 = arith.constant 0 : i32
        %dma_wait3A_318 = tpu.memref_slice %arg2[%dma_wait3A, %dma_wait3A_316, %dma_wait3A_317] : memref<1536x112x112xf32, #tpu.memory_space<hbm>> -> memref<1x112x112xf32, #tpu.memory_space<hbm>>
        %dma_wait3A_319 = tpu.memref_squeeze %dma_wait3A_318 : memref<1x112x112xf32, #tpu.memory_space<hbm>> -> memref<112x112xf32, #tpu.memory_space<hbm>>
        tpu.wait_dma2 semaphore(%arg10 : memref<!tpu.dma_semaphore, #tpu.memory_space<semaphore_mem>>) src(%dma_wait3A_319 : memref<112x112xf32, #tpu.memory_space<hbm>>) dst(%dma_wait3A_315 : memref<112x112xf32, #tpu.memory_space<vmem>>)
      } else {
      }
      %mul3A_270 = arith.constant 16 : i32
      %mul3A_271 = arith.muli %add3A_236, %mul3A_270 : i32
      %get3A_272 = arith.index_cast %mul3A_271 : i32 to index
      %get3A_273 = tpu.vector_load %arg6[%get3A_272] {strides = array<i32>} : memref<384xi32, #tpu.memory_space<vmem>>, vector<16xi32>,
      %get3A_274 = vector.shape_cast %get3A_273 : vector<16xi32> to vector<16xi32>
      %slice3A_275 = vector.extract_strided_slice %get3A_274 {offsets = [0], sizes = [1], strides = [1]} : vector<16xi32> to vector<1xi32>
      %squeeze3A_276 = vector.extract %slice3A_275[0] : i32 from vector<1xi32>
      %ge3A_277 = arith.constant 0 : i32
      %ge3A_278 = arith.cmpi sge, %squeeze3A_276, %ge3A_277 : i32
      %convert_element_type3A_279 = arith.extui %ge3A_278 : i1 to i32
      %cond3A_280 = arith.constant 0 : i32
      %cond3A_281 = arith.cmpi ne, %convert_element_type3A_279, %cond3A_280 : i32
      scf.if %cond3A_281 {
        %mul3A_303 = arith.constant 4 : i32
        %mul3A_304 = arith.muli %add3A_236, %mul3A_303 : i32
        %add3A_305 = arith.addi %mul3A_2, %mul3A_304 : i32
        %add3A_306 = arith.constant 0 : i32
        %add3A_307 = arith.addi %add3A_305, %add3A_306 : i32
        %dma_start3A = arith.constant 0 : i32
        %dma_start3A_308 = arith.constant 0 : i32
        %dma_start3A_309 = arith.constant 0 : i32
        %dma_start3A_310 = tpu.memref_slice %arg8[%dma_start3A, %dma_start3A_308, %dma_start3A_309] : memref<4x112x112xf32, #tpu.memory_space<vmem>> -> memref<1x112x112xf32, #tpu.memory_space<vmem>>
        %dma_start3A_311 = tpu.memref_squeeze %dma_start3A_310 : memref<1x112x112xf32, #tpu.memory_space<vmem>> -> memref<112x112xf32, #tpu.memory_space<vmem>>
        %dma_start3A_312 = arith.constant 0 : i32
        %dma_start3A_313 = arith.constant 0 : i32
        %dma_start3A_314 = tpu.memref_slice %arg5[%add3A_307, %dma_start3A_312, %dma_start3A_313] : memref<3072x112x112xf32, #tpu.memory_space<hbm>> -> memref<1x112x112xf32, #tpu.memory_space<hbm>>
        %dma_start3A_315 = tpu.memref_squeeze %dma_start3A_314 : memref<1x112x112xf32, #tpu.memory_space<hbm>> -> memref<112x112xf32, #tpu.memory_space<hbm>>
        %dma_start3A_316 = arith.constant 0 : i32
        %dma_start3A_317 = arith.constant 0 : i32
        %dma_start3A_318 = tpu.memref_slice %arg5[%add3A_307, %dma_start3A_316, %dma_start3A_317] : memref<3072x112x112xf32, #tpu.memory_space<hbm>> -> memref<1x112x112xf32, #tpu.memory_space<hbm>>
        %dma_start3A_319 = tpu.memref_squeeze %dma_start3A_318 : memref<1x112x112xf32, #tpu.memory_space<hbm>> -> memref<112x112xf32, #tpu.memory_space<hbm>>
        %dma_start3A_320 = arith.constant 0 : i32
        %dma_start3A_321 = arith.constant 0 : i32
        %dma_start3A_322 = tpu.memref_slice %arg8[%dma_start3A, %dma_start3A_320, %dma_start3A_321] : memref<4x112x112xf32, #tpu.memory_space<vmem>> -> memref<1x112x112xf32, #tpu.memory_space<vmem>>
        %dma_start3A_323 = tpu.memref_squeeze %dma_start3A_322 : memref<1x112x112xf32, #tpu.memory_space<vmem>> -> memref<112x112xf32, #tpu.memory_space<vmem>>
        tpu.enqueue_dma source(%dma_start3A_323 : memref<112x112xf32, #tpu.memory_space<vmem>>) target(%dma_start3A_319 : memref<112x112xf32, #tpu.memory_space<hbm>>) target_semaphore(%arg11 : memref<!tpu.dma_semaphore, #tpu.memory_space<semaphore_mem>>)
      } else {
      }
      %slice3A_282 = vector.extract_strided_slice %get3A_274 {offsets = [1], sizes = [1], strides = [1]} : vector<16xi32> to vector<1xi32>
      %squeeze3A_283 = vector.extract %slice3A_282[0] : i32 from vector<1xi32>
      %ge3A_284 = arith.constant 0 : i32
      %ge3A_285 = arith.cmpi sge, %squeeze3A_283, %ge3A_284 : i32
      %convert_element_type3A_286 = arith.extui %ge3A_285 : i1 to i32
      %cond3A_287 = arith.constant 0 : i32
      %cond3A_288 = arith.cmpi ne, %convert_element_type3A_286, %cond3A_287 : i32
      scf.if %cond3A_288 {
        %mul3A_303 = arith.constant 4 : i32
        %mul3A_304 = arith.muli %add3A_236, %mul3A_303 : i32
        %add3A_305 = arith.addi %mul3A_2, %mul3A_304 : i32
        %add3A_306 = arith.constant 1 : i32
        %add3A_307 = arith.addi %add3A_305, %add3A_306 : i32
        %dma_start3A = arith.constant 1 : i32
        %dma_start3A_308 = arith.constant 0 : i32
        %dma_start3A_309 = arith.constant 0 : i32
        %dma_start3A_310 = tpu.memref_slice %arg8[%dma_start3A, %dma_start3A_308, %dma_start3A_309] : memref<4x112x112xf32, #tpu.memory_space<vmem>> -> memref<1x112x112xf32, #tpu.memory_space<vmem>>
        %dma_start3A_311 = tpu.memref_squeeze %dma_start3A_310 : memref<1x112x112xf32, #tpu.memory_space<vmem>> -> memref<112x112xf32, #tpu.memory_space<vmem>>
        %dma_start3A_312 = arith.constant 0 : i32
        %dma_start3A_313 = arith.constant 0 : i32
        %dma_start3A_314 = tpu.memref_slice %arg5[%add3A_307, %dma_start3A_312, %dma_start3A_313] : memref<3072x112x112xf32, #tpu.memory_space<hbm>> -> memref<1x112x112xf32, #tpu.memory_space<hbm>>
        %dma_start3A_315 = tpu.memref_squeeze %dma_start3A_314 : memref<1x112x112xf32, #tpu.memory_space<hbm>> -> memref<112x112xf32, #tpu.memory_space<hbm>>
        %dma_start3A_316 = arith.constant 0 : i32
        %dma_start3A_317 = arith.constant 0 : i32
        %dma_start3A_318 = tpu.memref_slice %arg5[%add3A_307, %dma_start3A_316, %dma_start3A_317] : memref<3072x112x112xf32, #tpu.memory_space<hbm>> -> memref<1x112x112xf32, #tpu.memory_space<hbm>>
        %dma_start3A_319 = tpu.memref_squeeze %dma_start3A_318 : memref<1x112x112xf32, #tpu.memory_space<hbm>> -> memref<112x112xf32, #tpu.memory_space<hbm>>
        %dma_start3A_320 = arith.constant 0 : i32
        %dma_start3A_321 = arith.constant 0 : i32
        %dma_start3A_322 = tpu.memref_slice %arg8[%dma_start3A, %dma_start3A_320, %dma_start3A_321] : memref<4x112x112xf32, #tpu.memory_space<vmem>> -> memref<1x112x112xf32, #tpu.memory_space<vmem>>
        %dma_start3A_323 = tpu.memref_squeeze %dma_start3A_322 : memref<1x112x112xf32, #tpu.memory_space<vmem>> -> memref<112x112xf32, #tpu.memory_space<vmem>>
        tpu.enqueue_dma source(%dma_start3A_323 : memref<112x112xf32, #tpu.memory_space<vmem>>) target(%dma_start3A_319 : memref<112x112xf32, #tpu.memory_space<hbm>>) target_semaphore(%arg11 : memref<!tpu.dma_semaphore, #tpu.memory_space<semaphore_mem>>)
      } else {
      }
      %slice3A_289 = vector.extract_strided_slice %get3A_274 {offsets = [2], sizes = [1], strides = [1]} : vector<16xi32> to vector<1xi32>
      %squeeze3A_290 = vector.extract %slice3A_289[0] : i32 from vector<1xi32>
      %ge3A_291 = arith.constant 0 : i32
      %ge3A_292 = arith.cmpi sge, %squeeze3A_290, %ge3A_291 : i32
      %convert_element_type3A_293 = arith.extui %ge3A_292 : i1 to i32
      %cond3A_294 = arith.constant 0 : i32
      %cond3A_295 = arith.cmpi ne, %convert_element_type3A_293, %cond3A_294 : i32
      scf.if %cond3A_295 {
        %mul3A_303 = arith.constant 4 : i32
        %mul3A_304 = arith.muli %add3A_236, %mul3A_303 : i32
        %add3A_305 = arith.addi %mul3A_2, %mul3A_304 : i32
        %add3A_306 = arith.constant 2 : i32
        %add3A_307 = arith.addi %add3A_305, %add3A_306 : i32
        %dma_start3A = arith.constant 2 : i32
        %dma_start3A_308 = arith.constant 0 : i32
        %dma_start3A_309 = arith.constant 0 : i32
        %dma_start3A_310 = tpu.memref_slice %arg8[%dma_start3A, %dma_start3A_308, %dma_start3A_309] : memref<4x112x112xf32, #tpu.memory_space<vmem>> -> memref<1x112x112xf32, #tpu.memory_space<vmem>>
        %dma_start3A_311 = tpu.memref_squeeze %dma_start3A_310 : memref<1x112x112xf32, #tpu.memory_space<vmem>> -> memref<112x112xf32, #tpu.memory_space<vmem>>
        %dma_start3A_312 = arith.constant 0 : i32
        %dma_start3A_313 = arith.constant 0 : i32
        %dma_start3A_314 = tpu.memref_slice %arg5[%add3A_307, %dma_start3A_312, %dma_start3A_313] : memref<3072x112x112xf32, #tpu.memory_space<hbm>> -> memref<1x112x112xf32, #tpu.memory_space<hbm>>
        %dma_start3A_315 = tpu.memref_squeeze %dma_start3A_314 : memref<1x112x112xf32, #tpu.memory_space<hbm>> -> memref<112x112xf32, #tpu.memory_space<hbm>>
        %dma_start3A_316 = arith.constant 0 : i32
        %dma_start3A_317 = arith.constant 0 : i32
        %dma_start3A_318 = tpu.memref_slice %arg5[%add3A_307, %dma_start3A_316, %dma_start3A_317] : memref<3072x112x112xf32, #tpu.memory_space<hbm>> -> memref<1x112x112xf32, #tpu.memory_space<hbm>>
        %dma_start3A_319 = tpu.memref_squeeze %dma_start3A_318 : memref<1x112x112xf32, #tpu.memory_space<hbm>> -> memref<112x112xf32, #tpu.memory_space<hbm>>
        %dma_start3A_320 = arith.constant 0 : i32
        %dma_start3A_321 = arith.constant 0 : i32
        %dma_start3A_322 = tpu.memref_slice %arg8[%dma_start3A, %dma_start3A_320, %dma_start3A_321] : memref<4x112x112xf32, #tpu.memory_space<vmem>> -> memref<1x112x112xf32, #tpu.memory_space<vmem>>
        %dma_start3A_323 = tpu.memref_squeeze %dma_start3A_322 : memref<1x112x112xf32, #tpu.memory_space<vmem>> -> memref<112x112xf32, #tpu.memory_space<vmem>>
        tpu.enqueue_dma source(%dma_start3A_323 : memref<112x112xf32, #tpu.memory_space<vmem>>) target(%dma_start3A_319 : memref<112x112xf32, #tpu.memory_space<hbm>>) target_semaphore(%arg11 : memref<!tpu.dma_semaphore, #tpu.memory_space<semaphore_mem>>)
      } else {
      }
      %slice3A_296 = vector.extract_strided_slice %get3A_274 {offsets = [3], sizes = [1], strides = [1]} : vector<16xi32> to vector<1xi32>
      %squeeze3A_297 = vector.extract %slice3A_296[0] : i32 from vector<1xi32>
      %ge3A_298 = arith.constant 0 : i32
      %ge3A_299 = arith.cmpi sge, %squeeze3A_297, %ge3A_298 : i32
      %convert_element_type3A_300 = arith.extui %ge3A_299 : i1 to i32
      %cond3A_301 = arith.constant 0 : i32
      %cond3A_302 = arith.cmpi ne, %convert_element_type3A_300, %cond3A_301 : i32
      scf.if %cond3A_302 {
        %mul3A_303 = arith.constant 4 : i32
        %mul3A_304 = arith.muli %add3A_236, %mul3A_303 : i32
        %add3A_305 = arith.addi %mul3A_2, %mul3A_304 : i32
        %add3A_306 = arith.constant 3 : i32
        %add3A_307 = arith.addi %add3A_305, %add3A_306 : i32
        %dma_start3A = arith.constant 3 : i32
        %dma_start3A_308 = arith.constant 0 : i32
        %dma_start3A_309 = arith.constant 0 : i32
        %dma_start3A_310 = tpu.memref_slice %arg8[%dma_start3A, %dma_start3A_308, %dma_start3A_309] : memref<4x112x112xf32, #tpu.memory_space<vmem>> -> memref<1x112x112xf32, #tpu.memory_space<vmem>>
        %dma_start3A_311 = tpu.memref_squeeze %dma_start3A_310 : memref<1x112x112xf32, #tpu.memory_space<vmem>> -> memref<112x112xf32, #tpu.memory_space<vmem>>
        %dma_start3A_312 = arith.constant 0 : i32
        %dma_start3A_313 = arith.constant 0 : i32
        %dma_start3A_314 = tpu.memref_slice %arg5[%add3A_307, %dma_start3A_312, %dma_start3A_313] : memref<3072x112x112xf32, #tpu.memory_space<hbm>> -> memref<1x112x112xf32, #tpu.memory_space<hbm>>
        %dma_start3A_315 = tpu.memref_squeeze %dma_start3A_314 : memref<1x112x112xf32, #tpu.memory_space<hbm>> -> memref<112x112xf32, #tpu.memory_space<hbm>>
        %dma_start3A_316 = arith.constant 0 : i32
        %dma_start3A_317 = arith.constant 0 : i32
        %dma_start3A_318 = tpu.memref_slice %arg5[%add3A_307, %dma_start3A_316, %dma_start3A_317] : memref<3072x112x112xf32, #tpu.memory_space<hbm>> -> memref<1x112x112xf32, #tpu.memory_space<hbm>>
        %dma_start3A_319 = tpu.memref_squeeze %dma_start3A_318 : memref<1x112x112xf32, #tpu.memory_space<hbm>> -> memref<112x112xf32, #tpu.memory_space<hbm>>
        %dma_start3A_320 = arith.constant 0 : i32
        %dma_start3A_321 = arith.constant 0 : i32
        %dma_start3A_322 = tpu.memref_slice %arg8[%dma_start3A, %dma_start3A_320, %dma_start3A_321] : memref<4x112x112xf32, #tpu.memory_space<vmem>> -> memref<1x112x112xf32, #tpu.memory_space<vmem>>
        %dma_start3A_323 = tpu.memref_squeeze %dma_start3A_322 : memref<1x112x112xf32, #tpu.memory_space<vmem>> -> memref<112x112xf32, #tpu.memory_space<vmem>>
        tpu.enqueue_dma source(%dma_start3A_323 : memref<112x112xf32, #tpu.memory_space<vmem>>) target(%dma_start3A_319 : memref<112x112xf32, #tpu.memory_space<hbm>>) target_semaphore(%arg11 : memref<!tpu.dma_semaphore, #tpu.memory_space<semaphore_mem>>)
      } else {
      }
    }
    %scan3A_11 = arith.constant 12 : i32
    %get3A = arith.constant 352 : index
    %get3A_12 = tpu.vector_load %arg6[%get3A] {strides = array<i32>} : memref<384xi32, #tpu.memory_space<vmem>>, vector<16xi32>,
    %get3A_13 = vector.shape_cast %get3A_12 : vector<16xi32> to vector<16xi32>
    %slice3A = vector.extract_strided_slice %get3A_13 {offsets = [0], sizes = [1], strides = [1]} : vector<16xi32> to vector<1xi32>
    %squeeze3A = vector.extract %slice3A[0] : i32 from vector<1xi32>
    %ge3A = arith.constant 0 : i32
    %ge3A_14 = arith.cmpi sge, %squeeze3A, %ge3A : i32
    %convert_element_type3A = arith.extui %ge3A_14 : i1 to i32
    %cond3A = arith.constant 0 : i32
    %cond3A_15 = arith.cmpi ne, %convert_element_type3A, %cond3A : i32
    scf.if %cond3A_15 {
      %add3A_73 = arith.constant 88 : i32
      %add3A_74 = arith.addi %mul3A_2, %add3A_73 : i32
      %add3A_75 = arith.constant 0 : i32
      %add3A_76 = arith.addi %add3A_74, %add3A_75 : i32
      %dma_wait3A = arith.constant 0 : i32
      %dma_wait3A_77 = arith.constant 0 : i32
      %dma_wait3A_78 = arith.constant 0 : i32
      %dma_wait3A_79 = tpu.memref_slice %arg7[%dma_wait3A, %dma_wait3A_77, %dma_wait3A_78] : memref<4x112x112xf32, #tpu.memory_space<vmem>> -> memref<1x112x112xf32, #tpu.memory_space<vmem>>
      %dma_wait3A_80 = tpu.memref_squeeze %dma_wait3A_79 : memref<1x112x112xf32, #tpu.memory_space<vmem>> -> memref<112x112xf32, #tpu.memory_space<vmem>>
      %dma_wait3A_81 = arith.constant 0 : i32
      %dma_wait3A_82 = arith.constant 0 : i32
      %dma_wait3A_83 = tpu.memref_slice %arg5[%add3A_76, %dma_wait3A_81, %dma_wait3A_82] : memref<3072x112x112xf32, #tpu.memory_space<hbm>> -> memref<1x112x112xf32, #tpu.memory_space<hbm>>
      %dma_wait3A_84 = tpu.memref_squeeze %dma_wait3A_83 : memref<1x112x112xf32, #tpu.memory_space<hbm>> -> memref<112x112xf32, #tpu.memory_space<hbm>>
      %dma_wait3A_85 = arith.constant 0 : i32
      %dma_wait3A_86 = arith.constant 0 : i32
      %dma_wait3A_87 = tpu.memref_slice %arg5[%add3A_76, %dma_wait3A_85, %dma_wait3A_86] : memref<3072x112x112xf32, #tpu.memory_space<hbm>> -> memref<1x112x112xf32, #tpu.memory_space<hbm>>
      %dma_wait3A_88 = tpu.memref_squeeze %dma_wait3A_87 : memref<1x112x112xf32, #tpu.memory_space<hbm>> -> memref<112x112xf32, #tpu.memory_space<hbm>>
      %dma_wait3A_89 = arith.constant 0 : i32
      %dma_wait3A_90 = arith.constant 0 : i32
      %dma_wait3A_91 = tpu.memref_slice %arg7[%dma_wait3A, %dma_wait3A_89, %dma_wait3A_90] : memref<4x112x112xf32, #tpu.memory_space<vmem>> -> memref<1x112x112xf32, #tpu.memory_space<vmem>>
      %dma_wait3A_92 = tpu.memref_squeeze %dma_wait3A_91 : memref<1x112x112xf32, #tpu.memory_space<vmem>> -> memref<112x112xf32, #tpu.memory_space<vmem>>
      tpu.wait_dma2 semaphore(%arg11 : memref<!tpu.dma_semaphore, #tpu.memory_space<semaphore_mem>>) src(%dma_wait3A_92 : memref<112x112xf32, #tpu.memory_space<vmem>>) dst(%dma_wait3A_88 : memref<112x112xf32, #tpu.memory_space<hbm>>)
    } else {
    }
    %slice3A_16 = vector.extract_strided_slice %get3A_13 {offsets = [1], sizes = [1], strides = [1]} : vector<16xi32> to vector<1xi32>
    %squeeze3A_17 = vector.extract %slice3A_16[0] : i32 from vector<1xi32>
    %ge3A_18 = arith.constant 0 : i32
    %ge3A_19 = arith.cmpi sge, %squeeze3A_17, %ge3A_18 : i32
    %convert_element_type3A_20 = arith.extui %ge3A_19 : i1 to i32
    %cond3A_21 = arith.constant 0 : i32
    %cond3A_22 = arith.cmpi ne, %convert_element_type3A_20, %cond3A_21 : i32
    scf.if %cond3A_22 {
      %add3A_73 = arith.constant 88 : i32
      %add3A_74 = arith.addi %mul3A_2, %add3A_73 : i32
      %add3A_75 = arith.constant 1 : i32
      %add3A_76 = arith.addi %add3A_74, %add3A_75 : i32
      %dma_wait3A = arith.constant 1 : i32
      %dma_wait3A_77 = arith.constant 0 : i32
      %dma_wait3A_78 = arith.constant 0 : i32
      %dma_wait3A_79 = tpu.memref_slice %arg7[%dma_wait3A, %dma_wait3A_77, %dma_wait3A_78] : memref<4x112x112xf32, #tpu.memory_space<vmem>> -> memref<1x112x112xf32, #tpu.memory_space<vmem>>
      %dma_wait3A_80 = tpu.memref_squeeze %dma_wait3A_79 : memref<1x112x112xf32, #tpu.memory_space<vmem>> -> memref<112x112xf32, #tpu.memory_space<vmem>>
      %dma_wait3A_81 = arith.constant 0 : i32
      %dma_wait3A_82 = arith.constant 0 : i32
      %dma_wait3A_83 = tpu.memref_slice %arg5[%add3A_76, %dma_wait3A_81, %dma_wait3A_82] : memref<3072x112x112xf32, #tpu.memory_space<hbm>> -> memref<1x112x112xf32, #tpu.memory_space<hbm>>
      %dma_wait3A_84 = tpu.memref_squeeze %dma_wait3A_83 : memref<1x112x112xf32, #tpu.memory_space<hbm>> -> memref<112x112xf32, #tpu.memory_space<hbm>>
      %dma_wait3A_85 = arith.constant 0 : i32
      %dma_wait3A_86 = arith.constant 0 : i32
      %dma_wait3A_87 = tpu.memref_slice %arg5[%add3A_76, %dma_wait3A_85, %dma_wait3A_86] : memref<3072x112x112xf32, #tpu.memory_space<hbm>> -> memref<1x112x112xf32, #tpu.memory_space<hbm>>
      %dma_wait3A_88 = tpu.memref_squeeze %dma_wait3A_87 : memref<1x112x112xf32, #tpu.memory_space<hbm>> -> memref<112x112xf32, #tpu.memory_space<hbm>>
      %dma_wait3A_89 = arith.constant 0 : i32
      %dma_wait3A_90 = arith.constant 0 : i32
      %dma_wait3A_91 = tpu.memref_slice %arg7[%dma_wait3A, %dma_wait3A_89, %dma_wait3A_90] : memref<4x112x112xf32, #tpu.memory_space<vmem>> -> memref<1x112x112xf32, #tpu.memory_space<vmem>>
      %dma_wait3A_92 = tpu.memref_squeeze %dma_wait3A_91 : memref<1x112x112xf32, #tpu.memory_space<vmem>> -> memref<112x112xf32, #tpu.memory_space<vmem>>
      tpu.wait_dma2 semaphore(%arg11 : memref<!tpu.dma_semaphore, #tpu.memory_space<semaphore_mem>>) src(%dma_wait3A_92 : memref<112x112xf32, #tpu.memory_space<vmem>>) dst(%dma_wait3A_88 : memref<112x112xf32, #tpu.memory_space<hbm>>)
    } else {
    }
    %slice3A_23 = vector.extract_strided_slice %get3A_13 {offsets = [2], sizes = [1], strides = [1]} : vector<16xi32> to vector<1xi32>
    %squeeze3A_24 = vector.extract %slice3A_23[0] : i32 from vector<1xi32>
    %ge3A_25 = arith.constant 0 : i32
    %ge3A_26 = arith.cmpi sge, %squeeze3A_24, %ge3A_25 : i32
    %convert_element_type3A_27 = arith.extui %ge3A_26 : i1 to i32
    %cond3A_28 = arith.constant 0 : i32
    %cond3A_29 = arith.cmpi ne, %convert_element_type3A_27, %cond3A_28 : i32
    scf.if %cond3A_29 {
      %add3A_73 = arith.constant 88 : i32
      %add3A_74 = arith.addi %mul3A_2, %add3A_73 : i32
      %add3A_75 = arith.constant 2 : i32
      %add3A_76 = arith.addi %add3A_74, %add3A_75 : i32
      %dma_wait3A = arith.constant 2 : i32
      %dma_wait3A_77 = arith.constant 0 : i32
      %dma_wait3A_78 = arith.constant 0 : i32
      %dma_wait3A_79 = tpu.memref_slice %arg7[%dma_wait3A, %dma_wait3A_77, %dma_wait3A_78] : memref<4x112x112xf32, #tpu.memory_space<vmem>> -> memref<1x112x112xf32, #tpu.memory_space<vmem>>
      %dma_wait3A_80 = tpu.memref_squeeze %dma_wait3A_79 : memref<1x112x112xf32, #tpu.memory_space<vmem>> -> memref<112x112xf32, #tpu.memory_space<vmem>>
      %dma_wait3A_81 = arith.constant 0 : i32
      %dma_wait3A_82 = arith.constant 0 : i32
      %dma_wait3A_83 = tpu.memref_slice %arg5[%add3A_76, %dma_wait3A_81, %dma_wait3A_82] : memref<3072x112x112xf32, #tpu.memory_space<hbm>> -> memref<1x112x112xf32, #tpu.memory_space<hbm>>
      %dma_wait3A_84 = tpu.memref_squeeze %dma_wait3A_83 : memref<1x112x112xf32, #tpu.memory_space<hbm>> -> memref<112x112xf32, #tpu.memory_space<hbm>>
      %dma_wait3A_85 = arith.constant 0 : i32
      %dma_wait3A_86 = arith.constant 0 : i32
      %dma_wait3A_87 = tpu.memref_slice %arg5[%add3A_76, %dma_wait3A_85, %dma_wait3A_86] : memref<3072x112x112xf32, #tpu.memory_space<hbm>> -> memref<1x112x112xf32, #tpu.memory_space<hbm>>
      %dma_wait3A_88 = tpu.memref_squeeze %dma_wait3A_87 : memref<1x112x112xf32, #tpu.memory_space<hbm>> -> memref<112x112xf32, #tpu.memory_space<hbm>>
      %dma_wait3A_89 = arith.constant 0 : i32
      %dma_wait3A_90 = arith.constant 0 : i32
      %dma_wait3A_91 = tpu.memref_slice %arg7[%dma_wait3A, %dma_wait3A_89, %dma_wait3A_90] : memref<4x112x112xf32, #tpu.memory_space<vmem>> -> memref<1x112x112xf32, #tpu.memory_space<vmem>>
      %dma_wait3A_92 = tpu.memref_squeeze %dma_wait3A_91 : memref<1x112x112xf32, #tpu.memory_space<vmem>> -> memref<112x112xf32, #tpu.memory_space<vmem>>
      tpu.wait_dma2 semaphore(%arg11 : memref<!tpu.dma_semaphore, #tpu.memory_space<semaphore_mem>>) src(%dma_wait3A_92 : memref<112x112xf32, #tpu.memory_space<vmem>>) dst(%dma_wait3A_88 : memref<112x112xf32, #tpu.memory_space<hbm>>)
    } else {
    }
    %slice3A_30 = vector.extract_strided_slice %get3A_13 {offsets = [3], sizes = [1], strides = [1]} : vector<16xi32> to vector<1xi32>
    %squeeze3A_31 = vector.extract %slice3A_30[0] : i32 from vector<1xi32>
    %ge3A_32 = arith.constant 0 : i32
    %ge3A_33 = arith.cmpi sge, %squeeze3A_31, %ge3A_32 : i32
    %convert_element_type3A_34 = arith.extui %ge3A_33 : i1 to i32
    %cond3A_35 = arith.constant 0 : i32
    %cond3A_36 = arith.cmpi ne, %convert_element_type3A_34, %cond3A_35 : i32
    scf.if %cond3A_36 {
      %add3A_73 = arith.constant 88 : i32
      %add3A_74 = arith.addi %mul3A_2, %add3A_73 : i32
      %add3A_75 = arith.constant 3 : i32
      %add3A_76 = arith.addi %add3A_74, %add3A_75 : i32
      %dma_wait3A = arith.constant 3 : i32
      %dma_wait3A_77 = arith.constant 0 : i32
      %dma_wait3A_78 = arith.constant 0 : i32
      %dma_wait3A_79 = tpu.memref_slice %arg7[%dma_wait3A, %dma_wait3A_77, %dma_wait3A_78] : memref<4x112x112xf32, #tpu.memory_space<vmem>> -> memref<1x112x112xf32, #tpu.memory_space<vmem>>
      %dma_wait3A_80 = tpu.memref_squeeze %dma_wait3A_79 : memref<1x112x112xf32, #tpu.memory_space<vmem>> -> memref<112x112xf32, #tpu.memory_space<vmem>>
      %dma_wait3A_81 = arith.constant 0 : i32
      %dma_wait3A_82 = arith.constant 0 : i32
      %dma_wait3A_83 = tpu.memref_slice %arg5[%add3A_76, %dma_wait3A_81, %dma_wait3A_82] : memref<3072x112x112xf32, #tpu.memory_space<hbm>> -> memref<1x112x112xf32, #tpu.memory_space<hbm>>
      %dma_wait3A_84 = tpu.memref_squeeze %dma_wait3A_83 : memref<1x112x112xf32, #tpu.memory_space<hbm>> -> memref<112x112xf32, #tpu.memory_space<hbm>>
      %dma_wait3A_85 = arith.constant 0 : i32
      %dma_wait3A_86 = arith.constant 0 : i32
      %dma_wait3A_87 = tpu.memref_slice %arg5[%add3A_76, %dma_wait3A_85, %dma_wait3A_86] : memref<3072x112x112xf32, #tpu.memory_space<hbm>> -> memref<1x112x112xf32, #tpu.memory_space<hbm>>
      %dma_wait3A_88 = tpu.memref_squeeze %dma_wait3A_87 : memref<1x112x112xf32, #tpu.memory_space<hbm>> -> memref<112x112xf32, #tpu.memory_space<hbm>>
      %dma_wait3A_89 = arith.constant 0 : i32
      %dma_wait3A_90 = arith.constant 0 : i32
      %dma_wait3A_91 = tpu.memref_slice %arg7[%dma_wait3A, %dma_wait3A_89, %dma_wait3A_90] : memref<4x112x112xf32, #tpu.memory_space<vmem>> -> memref<1x112x112xf32, #tpu.memory_space<vmem>>
      %dma_wait3A_92 = tpu.memref_squeeze %dma_wait3A_91 : memref<1x112x112xf32, #tpu.memory_space<vmem>> -> memref<112x112xf32, #tpu.memory_space<vmem>>
      tpu.wait_dma2 semaphore(%arg11 : memref<!tpu.dma_semaphore, #tpu.memory_space<semaphore_mem>>) src(%dma_wait3A_92 : memref<112x112xf32, #tpu.memory_space<vmem>>) dst(%dma_wait3A_88 : memref<112x112xf32, #tpu.memory_space<hbm>>)
    } else {
    }
    %get3A_37 = arith.constant 368 : index
    %get3A_38 = tpu.vector_load %arg6[%get3A_37] {strides = array<i32>} : memref<384xi32, #tpu.memory_space<vmem>>, vector<16xi32>,
    %get3A_39 = vector.shape_cast %get3A_38 : vector<16xi32> to vector<16xi32>
    %slice3A_40 = vector.extract_strided_slice %get3A_39 {offsets = [0], sizes = [1], strides = [1]} : vector<16xi32> to vector<1xi32>
    %squeeze3A_41 = vector.extract %slice3A_40[0] : i32 from vector<1xi32>
    %ge3A_42 = arith.constant 0 : i32
    %ge3A_43 = arith.cmpi sge, %squeeze3A_41, %ge3A_42 : i32
    %convert_element_type3A_44 = arith.extui %ge3A_43 : i1 to i32
    %cond3A_45 = arith.constant 0 : i32
    %cond3A_46 = arith.cmpi ne, %convert_element_type3A_44, %cond3A_45 : i32
    scf.if %cond3A_46 {
      %add3A_73 = arith.constant 92 : i32
      %add3A_74 = arith.addi %mul3A_2, %add3A_73 : i32
      %add3A_75 = arith.constant 0 : i32
      %add3A_76 = arith.addi %add3A_74, %add3A_75 : i32
      %dma_wait3A = arith.constant 0 : i32
      %dma_wait3A_77 = arith.constant 0 : i32
      %dma_wait3A_78 = arith.constant 0 : i32
      %dma_wait3A_79 = tpu.memref_slice %arg8[%dma_wait3A, %dma_wait3A_77, %dma_wait3A_78] : memref<4x112x112xf32, #tpu.memory_space<vmem>> -> memref<1x112x112xf32, #tpu.memory_space<vmem>>
      %dma_wait3A_80 = tpu.memref_squeeze %dma_wait3A_79 : memref<1x112x112xf32, #tpu.memory_space<vmem>> -> memref<112x112xf32, #tpu.memory_space<vmem>>
      %dma_wait3A_81 = arith.constant 0 : i32
      %dma_wait3A_82 = arith.constant 0 : i32
      %dma_wait3A_83 = tpu.memref_slice %arg5[%add3A_76, %dma_wait3A_81, %dma_wait3A_82] : memref<3072x112x112xf32, #tpu.memory_space<hbm>> -> memref<1x112x112xf32, #tpu.memory_space<hbm>>
      %dma_wait3A_84 = tpu.memref_squeeze %dma_wait3A_83 : memref<1x112x112xf32, #tpu.memory_space<hbm>> -> memref<112x112xf32, #tpu.memory_space<hbm>>
      %dma_wait3A_85 = arith.constant 0 : i32
      %dma_wait3A_86 = arith.constant 0 : i32
      %dma_wait3A_87 = tpu.memref_slice %arg5[%add3A_76, %dma_wait3A_85, %dma_wait3A_86] : memref<3072x112x112xf32, #tpu.memory_space<hbm>> -> memref<1x112x112xf32, #tpu.memory_space<hbm>>
      %dma_wait3A_88 = tpu.memref_squeeze %dma_wait3A_87 : memref<1x112x112xf32, #tpu.memory_space<hbm>> -> memref<112x112xf32, #tpu.memory_space<hbm>>
      %dma_wait3A_89 = arith.constant 0 : i32
      %dma_wait3A_90 = arith.constant 0 : i32
      %dma_wait3A_91 = tpu.memref_slice %arg8[%dma_wait3A, %dma_wait3A_89, %dma_wait3A_90] : memref<4x112x112xf32, #tpu.memory_space<vmem>> -> memref<1x112x112xf32, #tpu.memory_space<vmem>>
      %dma_wait3A_92 = tpu.memref_squeeze %dma_wait3A_91 : memref<1x112x112xf32, #tpu.memory_space<vmem>> -> memref<112x112xf32, #tpu.memory_space<vmem>>
      tpu.wait_dma2 semaphore(%arg11 : memref<!tpu.dma_semaphore, #tpu.memory_space<semaphore_mem>>) src(%dma_wait3A_92 : memref<112x112xf32, #tpu.memory_space<vmem>>) dst(%dma_wait3A_88 : memref<112x112xf32, #tpu.memory_space<hbm>>)
    } else {
    }
    %slice3A_47 = vector.extract_strided_slice %get3A_39 {offsets = [1], sizes = [1], strides = [1]} : vector<16xi32> to vector<1xi32>
    %squeeze3A_48 = vector.extract %slice3A_47[0] : i32 from vector<1xi32>
    %ge3A_49 = arith.constant 0 : i32
    %ge3A_50 = arith.cmpi sge, %squeeze3A_48, %ge3A_49 : i32
    %convert_element_type3A_51 = arith.extui %ge3A_50 : i1 to i32
    %cond3A_52 = arith.constant 0 : i32
    %cond3A_53 = arith.cmpi ne, %convert_element_type3A_51, %cond3A_52 : i32
    scf.if %cond3A_53 {
      %add3A_73 = arith.constant 92 : i32
      %add3A_74 = arith.addi %mul3A_2, %add3A_73 : i32
      %add3A_75 = arith.constant 1 : i32
      %add3A_76 = arith.addi %add3A_74, %add3A_75 : i32
      %dma_wait3A = arith.constant 1 : i32
      %dma_wait3A_77 = arith.constant 0 : i32
      %dma_wait3A_78 = arith.constant 0 : i32
      %dma_wait3A_79 = tpu.memref_slice %arg8[%dma_wait3A, %dma_wait3A_77, %dma_wait3A_78] : memref<4x112x112xf32, #tpu.memory_space<vmem>> -> memref<1x112x112xf32, #tpu.memory_space<vmem>>
      %dma_wait3A_80 = tpu.memref_squeeze %dma_wait3A_79 : memref<1x112x112xf32, #tpu.memory_space<vmem>> -> memref<112x112xf32, #tpu.memory_space<vmem>>
      %dma_wait3A_81 = arith.constant 0 : i32
      %dma_wait3A_82 = arith.constant 0 : i32
      %dma_wait3A_83 = tpu.memref_slice %arg5[%add3A_76, %dma_wait3A_81, %dma_wait3A_82] : memref<3072x112x112xf32, #tpu.memory_space<hbm>> -> memref<1x112x112xf32, #tpu.memory_space<hbm>>
      %dma_wait3A_84 = tpu.memref_squeeze %dma_wait3A_83 : memref<1x112x112xf32, #tpu.memory_space<hbm>> -> memref<112x112xf32, #tpu.memory_space<hbm>>
      %dma_wait3A_85 = arith.constant 0 : i32
      %dma_wait3A_86 = arith.constant 0 : i32
      %dma_wait3A_87 = tpu.memref_slice %arg5[%add3A_76, %dma_wait3A_85, %dma_wait3A_86] : memref<3072x112x112xf32, #tpu.memory_space<hbm>> -> memref<1x112x112xf32, #tpu.memory_space<hbm>>
      %dma_wait3A_88 = tpu.memref_squeeze %dma_wait3A_87 : memref<1x112x112xf32, #tpu.memory_space<hbm>> -> memref<112x112xf32, #tpu.memory_space<hbm>>
      %dma_wait3A_89 = arith.constant 0 : i32
      %dma_wait3A_90 = arith.constant 0 : i32
      %dma_wait3A_91 = tpu.memref_slice %arg8[%dma_wait3A, %dma_wait3A_89, %dma_wait3A_90] : memref<4x112x112xf32, #tpu.memory_space<vmem>> -> memref<1x112x112xf32, #tpu.memory_space<vmem>>
      %dma_wait3A_92 = tpu.memref_squeeze %dma_wait3A_91 : memref<1x112x112xf32, #tpu.memory_space<vmem>> -> memref<112x112xf32, #tpu.memory_space<vmem>>
      tpu.wait_dma2 semaphore(%arg11 : memref<!tpu.dma_semaphore, #tpu.memory_space<semaphore_mem>>) src(%dma_wait3A_92 : memref<112x112xf32, #tpu.memory_space<vmem>>) dst(%dma_wait3A_88 : memref<112x112xf32, #tpu.memory_space<hbm>>)
    } else {
    }
    %slice3A_54 = vector.extract_strided_slice %get3A_39 {offsets = [2], sizes = [1], strides = [1]} : vector<16xi32> to vector<1xi32>
    %squeeze3A_55 = vector.extract %slice3A_54[0] : i32 from vector<1xi32>
    %ge3A_56 = arith.constant 0 : i32
    %ge3A_57 = arith.cmpi sge, %squeeze3A_55, %ge3A_56 : i32
    %convert_element_type3A_58 = arith.extui %ge3A_57 : i1 to i32
    %cond3A_59 = arith.constant 0 : i32
    %cond3A_60 = arith.cmpi ne, %convert_element_type3A_58, %cond3A_59 : i32
    scf.if %cond3A_60 {
      %add3A_73 = arith.constant 92 : i32
      %add3A_74 = arith.addi %mul3A_2, %add3A_73 : i32
      %add3A_75 = arith.constant 2 : i32
      %add3A_76 = arith.addi %add3A_74, %add3A_75 : i32
      %dma_wait3A = arith.constant 2 : i32
      %dma_wait3A_77 = arith.constant 0 : i32
      %dma_wait3A_78 = arith.constant 0 : i32
      %dma_wait3A_79 = tpu.memref_slice %arg8[%dma_wait3A, %dma_wait3A_77, %dma_wait3A_78] : memref<4x112x112xf32, #tpu.memory_space<vmem>> -> memref<1x112x112xf32, #tpu.memory_space<vmem>>
      %dma_wait3A_80 = tpu.memref_squeeze %dma_wait3A_79 : memref<1x112x112xf32, #tpu.memory_space<vmem>> -> memref<112x112xf32, #tpu.memory_space<vmem>>
      %dma_wait3A_81 = arith.constant 0 : i32
      %dma_wait3A_82 = arith.constant 0 : i32
      %dma_wait3A_83 = tpu.memref_slice %arg5[%add3A_76, %dma_wait3A_81, %dma_wait3A_82] : memref<3072x112x112xf32, #tpu.memory_space<hbm>> -> memref<1x112x112xf32, #tpu.memory_space<hbm>>
      %dma_wait3A_84 = tpu.memref_squeeze %dma_wait3A_83 : memref<1x112x112xf32, #tpu.memory_space<hbm>> -> memref<112x112xf32, #tpu.memory_space<hbm>>
      %dma_wait3A_85 = arith.constant 0 : i32
      %dma_wait3A_86 = arith.constant 0 : i32
      %dma_wait3A_87 = tpu.memref_slice %arg5[%add3A_76, %dma_wait3A_85, %dma_wait3A_86] : memref<3072x112x112xf32, #tpu.memory_space<hbm>> -> memref<1x112x112xf32, #tpu.memory_space<hbm>>
      %dma_wait3A_88 = tpu.memref_squeeze %dma_wait3A_87 : memref<1x112x112xf32, #tpu.memory_space<hbm>> -> memref<112x112xf32, #tpu.memory_space<hbm>>
      %dma_wait3A_89 = arith.constant 0 : i32
      %dma_wait3A_90 = arith.constant 0 : i32
      %dma_wait3A_91 = tpu.memref_slice %arg8[%dma_wait3A, %dma_wait3A_89, %dma_wait3A_90] : memref<4x112x112xf32, #tpu.memory_space<vmem>> -> memref<1x112x112xf32, #tpu.memory_space<vmem>>
      %dma_wait3A_92 = tpu.memref_squeeze %dma_wait3A_91 : memref<1x112x112xf32, #tpu.memory_space<vmem>> -> memref<112x112xf32, #tpu.memory_space<vmem>>
      tpu.wait_dma2 semaphore(%arg11 : memref<!tpu.dma_semaphore, #tpu.memory_space<semaphore_mem>>) src(%dma_wait3A_92 : memref<112x112xf32, #tpu.memory_space<vmem>>) dst(%dma_wait3A_88 : memref<112x112xf32, #tpu.memory_space<hbm>>)
    } else {
    }
    %slice3A_61 = vector.extract_strided_slice %get3A_39 {offsets = [3], sizes = [1], strides = [1]} : vector<16xi32> to vector<1xi32>
    %squeeze3A_62 = vector.extract %slice3A_61[0] : i32 from vector<1xi32>
    %ge3A_63 = arith.constant 0 : i32
    %ge3A_64 = arith.cmpi sge, %squeeze3A_62, %ge3A_63 : i32
    %convert_element_type3A_65 = arith.extui %ge3A_64 : i1 to i32
    %cond3A_66 = arith.constant 0 : i32
    %cond3A_67 = arith.cmpi ne, %convert_element_type3A_65, %cond3A_66 : i32
    scf.if %cond3A_67 {
      %add3A_73 = arith.constant 92 : i32
      %add3A_74 = arith.addi %mul3A_2, %add3A_73 : i32
      %add3A_75 = arith.constant 3 : i32
      %add3A_76 = arith.addi %add3A_74, %add3A_75 : i32
      %dma_wait3A = arith.constant 3 : i32
      %dma_wait3A_77 = arith.constant 0 : i32
      %dma_wait3A_78 = arith.constant 0 : i32
      %dma_wait3A_79 = tpu.memref_slice %arg8[%dma_wait3A, %dma_wait3A_77, %dma_wait3A_78] : memref<4x112x112xf32, #tpu.memory_space<vmem>> -> memref<1x112x112xf32, #tpu.memory_space<vmem>>
      %dma_wait3A_80 = tpu.memref_squeeze %dma_wait3A_79 : memref<1x112x112xf32, #tpu.memory_space<vmem>> -> memref<112x112xf32, #tpu.memory_space<vmem>>
      %dma_wait3A_81 = arith.constant 0 : i32
      %dma_wait3A_82 = arith.constant 0 : i32
      %dma_wait3A_83 = tpu.memref_slice %arg5[%add3A_76, %dma_wait3A_81, %dma_wait3A_82] : memref<3072x112x112xf32, #tpu.memory_space<hbm>> -> memref<1x112x112xf32, #tpu.memory_space<hbm>>
      %dma_wait3A_84 = tpu.memref_squeeze %dma_wait3A_83 : memref<1x112x112xf32, #tpu.memory_space<hbm>> -> memref<112x112xf32, #tpu.memory_space<hbm>>
      %dma_wait3A_85 = arith.constant 0 : i32
      %dma_wait3A_86 = arith.constant 0 : i32
      %dma_wait3A_87 = tpu.memref_slice %arg5[%add3A_76, %dma_wait3A_85, %dma_wait3A_86] : memref<3072x112x112xf32, #tpu.memory_space<hbm>> -> memref<1x112x112xf32, #tpu.memory_space<hbm>>
      %dma_wait3A_88 = tpu.memref_squeeze %dma_wait3A_87 : memref<1x112x112xf32, #tpu.memory_space<hbm>> -> memref<112x112xf32, #tpu.memory_space<hbm>>
      %dma_wait3A_89 = arith.constant 0 : i32
      %dma_wait3A_90 = arith.constant 0 : i32
      %dma_wait3A_91 = tpu.memref_slice %arg8[%dma_wait3A, %dma_wait3A_89, %dma_wait3A_90] : memref<4x112x112xf32, #tpu.memory_space<vmem>> -> memref<1x112x112xf32, #tpu.memory_space<vmem>>
      %dma_wait3A_92 = tpu.memref_squeeze %dma_wait3A_91 : memref<1x112x112xf32, #tpu.memory_space<vmem>> -> memref<112x112xf32, #tpu.memory_space<vmem>>
      tpu.wait_dma2 semaphore(%arg11 : memref<!tpu.dma_semaphore, #tpu.memory_space<semaphore_mem>>) src(%dma_wait3A_92 : memref<112x112xf32, #tpu.memory_space<vmem>>) dst(%dma_wait3A_88 : memref<112x112xf32, #tpu.memory_space<hbm>>)
    } else {
    }
    %scan3A_68 = arith.constant 0 : i32
    %scan3A_69 = arith.constant 24 : i32
    %scan3A_70 = arith.addi %scan3A_68, %scan3A_69 : i32
    %scan3A_71 = arith.constant 1 : i32
    scf.for %scan3A_73 = %scan3A_68 to %scan3A_70 step %scan3A_71  : i32 {
      %mul3A_74 = arith.constant 16 : i32
      %mul3A_75 = arith.muli %scan3A_73, %mul3A_74 : i32
      %get3A_76 = arith.index_cast %mul3A_75 : i32 to index
      %get3A_77 = tpu.vector_load %arg6[%get3A_76] {strides = array<i32>} : memref<384xi32, #tpu.memory_space<vmem>>, vector<16xi32>,
      %get3A_78 = vector.shape_cast %get3A_77 : vector<16xi32> to vector<16xi32>
      %slice3A_79 = vector.extract_strided_slice %get3A_78 {offsets = [0], sizes = [1], strides = [1]} : vector<16xi32> to vector<1xi32>
      %squeeze3A_80 = vector.extract %slice3A_79[0] : i32 from vector<1xi32>
      %lt3A = arith.constant 0 : i32
      %lt3A_81 = arith.cmpi slt, %squeeze3A_80, %lt3A : i32
      %convert_element_type3A_82 = arith.extui %lt3A_81 : i1 to i32
      %cond3A_83 = arith.constant 0 : i32
      %cond3A_84 = arith.cmpi ne, %convert_element_type3A_82, %cond3A_83 : i32
      scf.if %cond3A_84 {
        %mul3A_106 = arith.constant 4 : i32
        %mul3A_107 = arith.muli %scan3A_73, %mul3A_106 : i32
        %add3A_108 = arith.addi %mul3A_2, %mul3A_107 : i32
        %add3A_109 = arith.constant 0 : i32
        %add3A_110 = arith.addi %add3A_108, %add3A_109 : i32
        %dma_wait3A = arith.constant 0 : i32
        %dma_wait3A_111 = arith.constant 0 : i32
        %dma_wait3A_112 = tpu.memref_slice %arg5[%add3A_110, %dma_wait3A, %dma_wait3A_111] : memref<3072x112x112xf32, #tpu.memory_space<hbm>> -> memref<1x112x112xf32, #tpu.memory_space<hbm>>
        %dma_wait3A_113 = tpu.memref_squeeze %dma_wait3A_112 : memref<1x112x112xf32, #tpu.memory_space<hbm>> -> memref<112x112xf32, #tpu.memory_space<hbm>>
        %dma_wait3A_114 = arith.constant 0 : i32
        %dma_wait3A_115 = arith.constant 0 : i32
        %dma_wait3A_116 = tpu.memref_slice %arg5[%add3A_110, %dma_wait3A_114, %dma_wait3A_115] : memref<3072x112x112xf32, #tpu.memory_space<hbm>> -> memref<1x112x112xf32, #tpu.memory_space<hbm>>
        %dma_wait3A_117 = tpu.memref_squeeze %dma_wait3A_116 : memref<1x112x112xf32, #tpu.memory_space<hbm>> -> memref<112x112xf32, #tpu.memory_space<hbm>>
        tpu.wait_dma2 semaphore(%arg12 : memref<!tpu.dma_semaphore, #tpu.memory_space<semaphore_mem>>) src(%arg9 : memref<112x112xf32, #tpu.memory_space<vmem>>) dst(%dma_wait3A_117 : memref<112x112xf32, #tpu.memory_space<hbm>>)
      } else {
      }
      %slice3A_85 = vector.extract_strided_slice %get3A_78 {offsets = [1], sizes = [1], strides = [1]} : vector<16xi32> to vector<1xi32>
      %squeeze3A_86 = vector.extract %slice3A_85[0] : i32 from vector<1xi32>
      %lt3A_87 = arith.constant 0 : i32
      %lt3A_88 = arith.cmpi slt, %squeeze3A_86, %lt3A_87 : i32
      %convert_element_type3A_89 = arith.extui %lt3A_88 : i1 to i32
      %cond3A_90 = arith.constant 0 : i32
      %cond3A_91 = arith.cmpi ne, %convert_element_type3A_89, %cond3A_90 : i32
      scf.if %cond3A_91 {
        %mul3A_106 = arith.constant 4 : i32
        %mul3A_107 = arith.muli %scan3A_73, %mul3A_106 : i32
        %add3A_108 = arith.addi %mul3A_2, %mul3A_107 : i32
        %add3A_109 = arith.constant 1 : i32
        %add3A_110 = arith.addi %add3A_108, %add3A_109 : i32
        %dma_wait3A = arith.constant 0 : i32
        %dma_wait3A_111 = arith.constant 0 : i32
        %dma_wait3A_112 = tpu.memref_slice %arg5[%add3A_110, %dma_wait3A, %dma_wait3A_111] : memref<3072x112x112xf32, #tpu.memory_space<hbm>> -> memref<1x112x112xf32, #tpu.memory_space<hbm>>
        %dma_wait3A_113 = tpu.memref_squeeze %dma_wait3A_112 : memref<1x112x112xf32, #tpu.memory_space<hbm>> -> memref<112x112xf32, #tpu.memory_space<hbm>>
        %dma_wait3A_114 = arith.constant 0 : i32
        %dma_wait3A_115 = arith.constant 0 : i32
        %dma_wait3A_116 = tpu.memref_slice %arg5[%add3A_110, %dma_wait3A_114, %dma_wait3A_115] : memref<3072x112x112xf32, #tpu.memory_space<hbm>> -> memref<1x112x112xf32, #tpu.memory_space<hbm>>
        %dma_wait3A_117 = tpu.memref_squeeze %dma_wait3A_116 : memref<1x112x112xf32, #tpu.memory_space<hbm>> -> memref<112x112xf32, #tpu.memory_space<hbm>>
        tpu.wait_dma2 semaphore(%arg12 : memref<!tpu.dma_semaphore, #tpu.memory_space<semaphore_mem>>) src(%arg9 : memref<112x112xf32, #tpu.memory_space<vmem>>) dst(%dma_wait3A_117 : memref<112x112xf32, #tpu.memory_space<hbm>>)
      } else {
      }
      %slice3A_92 = vector.extract_strided_slice %get3A_78 {offsets = [2], sizes = [1], strides = [1]} : vector<16xi32> to vector<1xi32>
      %squeeze3A_93 = vector.extract %slice3A_92[0] : i32 from vector<1xi32>
      %lt3A_94 = arith.constant 0 : i32
      %lt3A_95 = arith.cmpi slt, %squeeze3A_93, %lt3A_94 : i32
      %convert_element_type3A_96 = arith.extui %lt3A_95 : i1 to i32
      %cond3A_97 = arith.constant 0 : i32
      %cond3A_98 = arith.cmpi ne, %convert_element_type3A_96, %cond3A_97 : i32
      scf.if %cond3A_98 {
        %mul3A_106 = arith.constant 4 : i32
        %mul3A_107 = arith.muli %scan3A_73, %mul3A_106 : i32
        %add3A_108 = arith.addi %mul3A_2, %mul3A_107 : i32
        %add3A_109 = arith.constant 2 : i32
        %add3A_110 = arith.addi %add3A_108, %add3A_109 : i32
        %dma_wait3A = arith.constant 0 : i32
        %dma_wait3A_111 = arith.constant 0 : i32
        %dma_wait3A_112 = tpu.memref_slice %arg5[%add3A_110, %dma_wait3A, %dma_wait3A_111] : memref<3072x112x112xf32, #tpu.memory_space<hbm>> -> memref<1x112x112xf32, #tpu.memory_space<hbm>>
        %dma_wait3A_113 = tpu.memref_squeeze %dma_wait3A_112 : memref<1x112x112xf32, #tpu.memory_space<hbm>> -> memref<112x112xf32, #tpu.memory_space<hbm>>
        %dma_wait3A_114 = arith.constant 0 : i32
        %dma_wait3A_115 = arith.constant 0 : i32
        %dma_wait3A_116 = tpu.memref_slice %arg5[%add3A_110, %dma_wait3A_114, %dma_wait3A_115] : memref<3072x112x112xf32, #tpu.memory_space<hbm>> -> memref<1x112x112xf32, #tpu.memory_space<hbm>>
        %dma_wait3A_117 = tpu.memref_squeeze %dma_wait3A_116 : memref<1x112x112xf32, #tpu.memory_space<hbm>> -> memref<112x112xf32, #tpu.memory_space<hbm>>
        tpu.wait_dma2 semaphore(%arg12 : memref<!tpu.dma_semaphore, #tpu.memory_space<semaphore_mem>>) src(%arg9 : memref<112x112xf32, #tpu.memory_space<vmem>>) dst(%dma_wait3A_117 : memref<112x112xf32, #tpu.memory_space<hbm>>)
      } else {
      }
      %slice3A_99 = vector.extract_strided_slice %get3A_78 {offsets = [3], sizes = [1], strides = [1]} : vector<16xi32> to vector<1xi32>
      %squeeze3A_100 = vector.extract %slice3A_99[0] : i32 from vector<1xi32>
      %lt3A_101 = arith.constant 0 : i32
      %lt3A_102 = arith.cmpi slt, %squeeze3A_100, %lt3A_101 : i32
      %convert_element_type3A_103 = arith.extui %lt3A_102 : i1 to i32
      %cond3A_104 = arith.constant 0 : i32
      %cond3A_105 = arith.cmpi ne, %convert_element_type3A_103, %cond3A_104 : i32
      scf.if %cond3A_105 {
        %mul3A_106 = arith.constant 4 : i32
        %mul3A_107 = arith.muli %scan3A_73, %mul3A_106 : i32
        %add3A_108 = arith.addi %mul3A_2, %mul3A_107 : i32
        %add3A_109 = arith.constant 3 : i32
        %add3A_110 = arith.addi %add3A_108, %add3A_109 : i32
        %dma_wait3A = arith.constant 0 : i32
        %dma_wait3A_111 = arith.constant 0 : i32
        %dma_wait3A_112 = tpu.memref_slice %arg5[%add3A_110, %dma_wait3A, %dma_wait3A_111] : memref<3072x112x112xf32, #tpu.memory_space<hbm>> -> memref<1x112x112xf32, #tpu.memory_space<hbm>>
        %dma_wait3A_113 = tpu.memref_squeeze %dma_wait3A_112 : memref<1x112x112xf32, #tpu.memory_space<hbm>> -> memref<112x112xf32, #tpu.memory_space<hbm>>
        %dma_wait3A_114 = arith.constant 0 : i32
        %dma_wait3A_115 = arith.constant 0 : i32
        %dma_wait3A_116 = tpu.memref_slice %arg5[%add3A_110, %dma_wait3A_114, %dma_wait3A_115] : memref<3072x112x112xf32, #tpu.memory_space<hbm>> -> memref<1x112x112xf32, #tpu.memory_space<hbm>>
        %dma_wait3A_117 = tpu.memref_squeeze %dma_wait3A_116 : memref<1x112x112xf32, #tpu.memory_space<hbm>> -> memref<112x112xf32, #tpu.memory_space<hbm>>
        tpu.wait_dma2 semaphore(%arg12 : memref<!tpu.dma_semaphore, #tpu.memory_space<semaphore_mem>>) src(%arg9 : memref<112x112xf32, #tpu.memory_space<vmem>>) dst(%dma_wait3A_117 : memref<112x112xf32, #tpu.memory_space<hbm>>)
      } else {
      }
    }
    %scan3A_72 = arith.constant 24 : i32
    return
  }
}

</mosaic_0001>

<sc_bundles>
// kernel: kernel.3.cloned.1.call-start
scs
__scs_entry_jumppad:
0x0: {  	(pc) =	sbr.rel $0x88, $3  }
0x1: {  	(tag) =	ssettag $0x0;
	lr =	simm.s32 $0x1  }
0x2: {  	[smem:$0x3F9F] =	sst lr;
	_ =	strace $0xD0000000  }
0x3: {  	_ = 	snop  }
0x4: {  	_ = 	snop  }
0x5: {  	_ = 	snop  }
0x6: {  	_ = 	snop  }
0x7: {  	_ = 	snop  }
__scs_overlays_trampoline_lowered:
0x8: {  	[smem:$0x3FAE] =	sst s0  }
0x9: {  	[smem:$0x3FAF] =	sst s1  }
0xa: {  	[smem:$0x3FB0] =	sst s2  }
0xb: {  	[smem:$0x3FB1] =	sst s3  }
0xc: {  	[smem:$0x3FB2] =	sst s4  }
0xd: {  	[smem:$0x3FB3] =	sst s5  }
0xe: {  	[smem:$0x3FB4] =	sst s6  }
0xf: {  	[smem:$0x3FB5] =	sst s7  }
0x10: {  	[smem:$0x3FB6] =	sst s8  }
0x11: {  	[smem:$0x3FB7] =	sst s9;
	s0 =	simm.s32 @!p0 $0x0  }
0x12: {  	s1 =	sld [smem:$0x3F9D];
	s0 =	simm.s32 @p0 $0x1  }
0x13: {  	[smem:$0x3FB8] =	sst s0;
	s0 =	simm.s32 @!p1 $0x0  }
0x14: {  	s2 =	sld [smem:$0x3F9C];
	s0 =	simm.s32 @p1 $0x1  }
0x15: {  	[smem:$0x3FB9] =	sst s0;
	s0 =	simm.s32 @!p2 $0x0  }
0x16: {  	s3 =	sld [smem:$0x3FDB];
	s0 =	simm.s32 @p2 $0x1  }
0x17: {  	s4 =	simm.s32 $0x1BF5;
	[smem:$0x3FBB] =	sst s0  }
0x18: {  	s0 =	sld [smem:$0x3F9E];
	_ =	swait.ge [sflag:s4], $0x0  }
0x19: {  	s7 =	sld [smem:$0x3F9F]  }
0x1a: {  	s8 =	sadd.s32 $0xFFFFE003, lr  }
0x1b: {  	s9 =	sadd.s32 $0xFFFFFEF7, lr;
	s5 =	simm.s32 $0xFFFFFFFF;
	p2 =	slt.u32 s8, $0xFFFFF086  }
0x1c: {  	p1 =	slt.u32 s9, $0xF7A;
	s5 =	simm.s32 @!p2 $0x0  }
0x1d: {  	s5 =	simm.s32 @p1 $0x1;
	p0 =	seq.s32 s7, s2  }
0x1e: {  	s7 =	smul.u32 @!p0 $0xF7A, s2;
	p2 =	seq.s32 @!p0 s5, $0x0  }
0x1f: {  	s9 =	smul.u32 $0xF7A, s1;
	s8 =	simm.s32 @!p0 $0x1BF5;
	p2 =	por !p2, p0  }
0x20: {  	[sflag:s8] =	ssyncset.s32 @!p0 $0xFFFFF086;
	s6 =	sadd.s32 @!p0 s3, s7;
	s7 =	simm.s32 @!p0 $0x108  }
0x21: {  	s3 =	sadd.s32 s3, s9;
	s6 =	sadd.s32 @!p0 $0x88, s6;
	s7 =	simm.s32 @p2 $0x1082  }
0x22: {  	[simem:s7], [sflag:s8] =	dma.local @!p0 [hbm:s6], $0xF7A  }
0x23: {  	s9 =	sor.u32 $0xD0000000, s2;
	s6 =	simm.s32 $0x108;
	_ =	swait.ge @!p0 [sflag:s8], $0x0  }
0x24: {  	s3 =	sadd.s32 $0x88, s3;
	s6 =	simm.s32 @!p1 $0x1082;
	[sflag:s4] =	ssyncset.s32 $0xFFFFF086  }
0x25: {  	[simem:s6], [sflag:s4] =	dma.local [hbm:s3], $0xF7A  }
0x26: {  	[smem:$0x3F9F] =	sst s1;
	(tag) =	ssettag s2;
	_ =	strace s9  }
0x27: {  	s1 =	sld [smem:$0x3FAF]  }
0x28: {  	s2 =	sld [smem:$0x3FB0]  }
0x29: {  	s4 =	sld [smem:$0x3FB2]  }
0x2a: {  	p0 =	seq.s32 s5, $0x0;
	s5 =	sld [smem:$0x3FB3]  }
0x2b: {  	s6 =	sld [smem:$0x3FB4]  }
0x2c: {  	s7 =	sld [smem:$0x3FB5]  }
0x2d: {  	s3 =	simm.s32 $0x108;
	s8 =	sld [smem:$0x3FB6]  }
0x2e: {  	s3 =	simm.s32 @!p0 $0x1082;
	s9 =	sld [smem:$0x3FB7]  }
0x2f: {  	lr =	sadd.s32 s0, s3;
	s0 =	sld [smem:$0x3FAE]  }
0x30: {  	s3 =	sld [smem:$0x3FB1]  }
0x31: {  	[smem:$0x3FBA] =	sst s10  }
0x32: {  	s10 =	sld [smem:$0x3FB8];
	_ =	sdelay $0x3  }
0x33: {  	p0 =	seq.s32 s10, $0x1;
	s10 =	sld [smem:$0x3FBA];
	_ =	sdelay $0x3  }
0x34: {  	[smem:$0x3FBA] =	sst s10  }
0x35: {  	s10 =	sld [smem:$0x3FB9];
	_ =	sdelay $0x3  }
0x36: {  	p1 =	seq.s32 s10, $0x1;
	s10 =	sld [smem:$0x3FBA];
	_ =	sdelay $0x3  }
0x37: {  	[smem:$0x3FBA] =	sst s10  }
0x38: {  	s10 =	sld [smem:$0x3FBB]  }
0x39: {  	_ = 	snop;
	(pc) =	sbr.ind lr, $3  }
0x3a: {  	_ = 	snop  }
0x3b: {  	_ = 	snop  }
0x3c: {  	p2 =	seq.s32 s10, $0x1;
	s10 =	sld [smem:$0x3FBA]  }
0x3d: {  	_ =	shalt  }
0x3e: {  	_ =	shalt  }
0x3f: {  	_ =	shalt  }
0x40: {  	_ =	shalt  }
0x41: {  	_ =	shalt  }
0x42: {  	_ =	shalt  }
0x43: {  	_ =	shalt  }
0x44: {  	_ =	shalt  }
0x45: {  	_ =	shalt  }
0x46: {  	_ =	shalt  }
0x47: {  	_ =	shalt  }
0x48: {  	_ =	shalt  }
0x49: {  	_ =	shalt  }
0x4a: {  	_ =	shalt  }
0x4b: {  	_ =	shalt  }
0x4c: {  	_ =	shalt  }
0x4d: {  	_ =	shalt  }
0x4e: {  	_ =	shalt  }
0x4f: {  	_ =	shalt  }
0x50: {  	_ =	shalt  }
0x51: {  	_ =	shalt  }
0x52: {  	_ =	shalt  }
0x53: {  	_ =	shalt  }
0x54: {  	_ =	shalt  }
0x55: {  	_ =	shalt  }
0x56: {  	_ =	shalt  }
0x57: {  	_ =	shalt  }
0x58: {  	_ =	shalt  }
0x59: {  	_ =	shalt  }
0x5a: {  	_ =	shalt  }
0x5b: {  	_ =	shalt  }
0x5c: {  	_ =	shalt  }
0x5d: {  	_ =	shalt  }
0x5e: {  	_ =	shalt  }
0x5f: {  	_ =	shalt  }
0x60: {  	_ =	shalt  }
0x61: {  	_ =	shalt  }
0x62: {  	_ =	shalt  }
0x63: {  	_ =	shalt  }
0x64: {  	_ =	shalt  }
0x65: {  	_ =	shalt  }
0x66: {  	_ =	shalt  }
0x67: {  	_ =	shalt  }
0x68: {  	_ =	shalt  }
0x69: {  	_ =	shalt  }
0x6a: {  	_ =	shalt  }
0x6b: {  	_ =	shalt  }
0x6c: {  	_ =	shalt  }
0x6d: {  	_ =	shalt  }
0x6e: {  	_ =	shalt  }
0x6f: {  	_ =	shalt  }
0x70: {  	_ =	shalt  }
0x71: {  	_ =	shalt  }
0x72: {  	_ =	shalt  }
0x73: {  	_ =	shalt  }
0x74: {  	_ =	shalt  }
0x75: {  	_ =	shalt  }
0x76: {  	_ =	shalt  }
0x77: {  	_ =	shalt  }
0x78: {  	_ =	shalt  }
0x79: {  	_ =	shalt  }
0x7a: {  	_ =	shalt  }
0x7b: {  	_ =	shalt  }
0x7c: {  	_ =	shalt  }
0x7d: {  	_ =	shalt  }
0x7e: {  	_ =	shalt  }
0x7f: {  	_ =	shalt  }
0x80: {  	_ =	shalt  }
0x81: {  	_ =	shalt  }
0x82: {  	_ =	shalt  }
0x83: {  	_ =	shalt  }
0x84: {  	_ =	shalt  }
0x85: {  	_ =	shalt  }
0x86: {  	_ =	shalt  }
0x87: {  	_ =	shalt  }
.Lfunc_end0:
.L_simem_size_0:
called_computation_lowered:
.L_overlay_start_0:
0x88: {  	s2 =	sld [smem:$0x3FD9]  }
0x89: {  	s3 =	sld [smem:$0x3FFE];
	_ =	sdelay $0x1  }
0x8a: {  	s1 =	srdreg.scid  }
0x8b: {  	s0 =	sand.u32 $0x1, s1  }
0x8c: {  	s17 =	sshll.u32 s0, $0xA;
	s2 =	sadd.s32 s3, s2  }
0x8d: {  	s2 =	sadd.s32 s2, s17  }
0x8e: {  	[smem:$0x3FC6] =	sst s2  }
0x8f: {  	_ = 	snop  }
0x90: {  	s2 =	sld [smem:$0x3FC9]  }
0x91: {  	s18 =	sld [smem:$0x3FD0];
	(tm) =	ssettm $0x1  }
0x92: {  	s4 =	sld [smem:$0x3FFB];
	_ =	sdelay $0x3  }
0x93: {  	_ =	strace s4  }
0x94: {  	s4 =	sld [smem:$0x3FFC];
	_ =	sdelay $0x3  }
0x95: {  	_ =	strace s4  }
0x96: {  	s4 =	sld [smem:$0x3FFD];
	_ =	sdelay $0x3  }
0x97: {  	_ =	strace s4  }
0x98: {  	_ =	strace $0x8FFFFFFF  }
0x99: {  	s19 =	sld [smem:$0x3FDB];
	_ =	sdelay $0x1  }
0x9a: {  	s5 =	simm.s32 $_scs_section_size  }
0x9b: {  	s6 =	simm.s32 $_size__tile_overlayer_lowered;
	s7 =	simm.s32 $_tile_overlayer_lowered  }
0x9c: {  	s22 =	simm.s32 $0x1BFF;
	s21 =	sshll.u32 s7, $0x1;
	s4 =	sadd.s32 s5, s19  }
0x9d: {  	s8 =	simm.s32 $0x0;
	s20 =	sshll.u32 s6, $0x1;
	s6 =	sadd.s32 s21, s4  }
0x9e: {  	[timem:s8], [sflag:s22] =	dma.local [hbm:s6], s20  }
0x9f: {  	_ =	swait.ge [sflag:s22], s20  }
0xa0: {  	s5 =	ssub.s32 $0x0, s20;
	[sflag:s22] =	ssyncset.done $0x0  }
0xa1: {  	[sflag:s22] =	ssyncadd.s32 s5;
	_ =	sdelay $0x1  }
0xa2: {  	s23 =	simm.s32 $0x1B8B  }
0xa3: {  	_ =	swait.ge [sflag:s23], $0x1  }
0xa4: {  	[sflag:s23] =	ssyncset.done $0x0  }
0xa5: {  	s25 =	simm.s32 $0x1B8E;
	s24 =	sld [smem:$0x3FFE];
	[sflag:s23] =	ssyncadd.s32 $0xFFFFFFFF  }
0xa6: {  	s26 =	simm.s32 $execute0_lowered;
	[smem:$0x3FD2] =	sst s25  }
0xa7: {  	s6 =	sshll.u32 s26, $0x1;
	_ =	strace $0x80000046;
	[dreg:$0x1] =	wrdreg $0xFFFFFFFF  }
0xa8: {  	s28 =	simm.s32 $_size_execute0_lowered;
	s4 =	sadd.s32 s4, s6;
	[dreg:$0x0] =	wrdreg $0x0  }
0xa9: {  	s6 =	sshll.u32 s28, $0x1;
	[dreg:$0x2] =	wrdreg s4  }
0xaa: {  	[dreg:$0x3] =	wrdreg s6  }
0xab: {  	[dreg:$0x4] =	wrdreg $0xC0  }
0xac: {  	_ =	task [dreg:s8], $0x5FFFF  }
0xad: {  	[dreg:$0x1] =	wrdreg $0xFFFFFFFF  }
0xae: {  	[dreg:$0x0] =	wrdreg $0x60  }
0xaf: {  	[dreg:$0x2] =	wrdreg s2  }
0xb0: {  	[dreg:$0x3] =	wrdreg s24  }
0xb1: {  	[dreg:$0x4] =	wrdreg s18  }
0xb2: {  	[dreg:$0x5] =	wrdreg $0x9  }
0xb3: {  	_ =	task.clear_ibuf [dreg:s8], $0x6FFFF;
	_ =	strace $0x90000046  }
0xb4: {  	s29 =	simm.s32 $0x9;
	_ =	strace $0x80000048  }
0xb5: {  	_ =	swait.ge [sflag:s29], $0x1  }
0xb6: {  	[sflag:s29] =	ssyncadd.s32 $0xFFFFFFFF  }
0xb7: {  	_ =	strace $0x90000048  }
0xb8: {  	_ =	sfence  }
0xb9: {  	s30 =	sld [smem:$0x0];
	_ =	sdelay $0x2  }
0xba: {  	s31 =	sshll.u32 s1, $0xD;
	s1 =	sshrl.u32 s1, $0x2  }
0xbb: {  	s3 =	sand.u32 $0x4000, s31;
	s1 =	sadd.s32 s1, s30  }
0xbc: {  	s0 =	sor.u32 s3, s0;
	s1 =	sshll.u32 s1, $0x11  }
0xbd: {  	s0 =	sor.u32 s1, s0  }
0xbe: {  	s0 =	sadd.s32 $0x8F2B, s0  }
0xbf: {  	[sflag:s0] =	ssyncadd.remote.s32 $0x1  }
0xc0: {  	_ =	sfence.sel $0xFFFF  }
0xc1: {  	[dreg:$0x0] =	wrdreg $0xFFFFFFFF;
	(pc) =	sbr.abs _section_cstart, $3  }
0xc2: {  	[dreg:$0x1] =	wrdreg $0xFFFFFFFF  }
0xc3: {  	_ =	task.clear_ibuf [dreg:s8], $0x2FFFF;
	_ =	strace $0x9FFFFFFF  }
0xc4: {  	(tm) =	ssettm $0x7FFFFFFF  }
0xc5: {  	_ =	shalt  }
tec
execute0_lowered:
.L_overlay_start_1:
0x0: {  	(tag) =	ssettag $0x1  }
0x1: {  	s1 =	rddreg [dreg:$0x0];
	s0 =	stileid.u32  }
0x2: {  	s2 =	srdreg.scid;
	s26 =	smul.u32 $0x2A0000, s0  }
0x3: {  	s4 =	rddreg [dreg:$0x1];
	s25 =	sshrl.u32 s0, $0x2;
	s13 =	smul.u32 $0x54000, s0  }
0x4: {  	s11 =	rddreg [dreg:$0x2];
	s10 =	sand.u32 $0x1, s2;
	s6 =	smul.u32 $0xC00, s25  }
0x5: {  	s3 =	sshll.u32 s0, $0x8;
	s2 =	rddreg [dreg:$0x3];
	s7 =	smul.u32 $0x150000, s10  }
0x6: {  	s5 =	sshll.u32 s10, $0x7;
	s8 =	ssub.s32 $0x2, s10;
	s10 =	smul.u32 $0x2A000, s10  }
0x7: {  	s3 =	sor.u32 s5, s3;
	s9 =	sshrl.u32 s8, $0x1;
	s13 =	sadd.s32 s13, s11  }
0x8: {  	s5 =	sand.u32 $0x380, s3;
	s3 =	simm.s32 $0x0;
	s12 =	sadd.s32 s7, s26  }
0x9: {  	s28 =	ssub.s32 s8, s9;
	s10 =	sadd.s32 s10, s13;
	s13 =	simm.s32 $0x4  }
0xa: {  	s5 =	sor.u32 s6, s5;
	[smem:$0x7FF] =	sst s3;
	s7 =	sor.u32 $0xA800, s12  }
0xb: {  	s6 =	smax.u32 s28, $0x1;
	s29 =	sor.u32 $0x7000, s12;
	s30 =	sor.u32 $0x3800, s12  }
0xc: {  	s14 =	sadd.s32 $0x18800, s12;
	s15 =	sadd.s32 $0x15000, s12;
	s12 =	sadd.s32 $0x11800, s12  }
0xd: {  	s5 =	sshrl.u32 s5, $0x3;
	_ =	strace $0x80000047;
	s7 =	sshrl.u32 s7, $0x3  }
0xe: {  	s8 =	sshrl.u32 s29, $0x3;
	s9 =	sshrl.u32 s30, $0x3;
	s14 =	sshrl.u32 s14, $0x3  }
0xf: {  	s15 =	sshrl.u32 s15, $0x3;
	s12 =	sshrl.u32 s12, $0x3;
	s5 =	sadd.s32 s5, s4  }
0x10: {  	s4 =	sadd.s32 $0xA00, s4;
	s7 =	sadd.s32 s7, s11;
	s8 =	sadd.s32 s8, s11  }
0x11: {  	s9 =	sadd.s32 s9, s11;
	s14 =	sadd.s32 s14, s11;
	s31 =	sadd.s32 s15, s11  }
0x12: {  	s11 =	sadd.s32 s12, s11;
	s12 =	simm.s32 $0x400;
	[dreg:$0x6] =	wrdreg s14  }
0x13: {  	s15 =	simm.s32 $0x0;
	s5 =	sadd.s32 $0x400, s5;
	[dreg:$0x5] =	wrdreg s31  }
0x14: {  	[dreg:$0x4] =	wrdreg s11;
	s11 =	simm.s32 $0x80;
	s14 =	simm.s32 $0x1C180  }
.LBB2_1:
0x15: {  	[tilespmem:s3], [sflag:$0x4] =	stream.strided.gather [hbm4b:s5+s11], $0x180, s12, s11, $0x38;
	[tilespmem:$0x1F980] =	vst v63  }
0x16: {  	_ =	swait.ge [sflag:s13], $0x180  }
0x17: {  	[sflag:s13] =	ssyncset.done $0x0  }
0x18: {  	[sflag:s13] =	ssyncadd.s32 $0xFFFFFE80  }
0x19: {  	[tilespmem:s14], [sflag:$0x4] =	stream.linear.gather [hbm4b:s4+s3], $0x3800, $0x38;
	[tilespmem:$0x1F980] =	vst v63  }
0x1a: {  	_ =	swait.ge [sflag:s13], $0x3800  }
0x1b: {  	[sflag:s13] =	ssyncset.done $0x0  }
0x1c: {  	[sflag:s13] =	ssyncadd.s32 $0xFFFFC800  }
0x1d: {  	v0 =	vld [tilespmem:s3+$0x0];
	_ =	sdelay $0x4  }
0x1e: {  	(v2sf) =	vpush v0, $0x2  }
0x1f: {  	(v2sf) =	vpush v0, $0x1  }
0x20: {  	(v2sf) =	vpush v0, $0x0  }
0x21: {  	(v2sf) =	vpush v0, $0x3;
	_ =	sdelay $0xa  }
0x22: {  	s16 =	simm.s32 $0x1C00  }
0x23: {  	s17 =	simm.s32 $0x10;
	s18 =	simm.s32 $0x3800;
	s20 =	spop (v2sf)  }
0x24: {  	s19 =	simm.s32 $0x20;
	s21 =	spop (v2sf);
	p0 =	sgt.s32 s20, $0xFFFFFFFF  }
0x25: {  	s20 =	simm.s32 $0x0;
	s22 =	spop (v2sf);
	p2 =	sgt.s32 s21, $0xFFFFFFFF  }
0x26: {  	p3 =	sgt.s32 s22, $0xFFFFFFFF;
	s21 =	simm.s32 @!p2 $0x1C180;
	s22 =	spop (v2sf)  }
0x27: {  	s23 =	sadd.s32 @!p3 $0x0, s10;
	s24 =	simm.s32 @!p3 $0x0;
	s25 =	simm.s32 @!p3 $0x1C180  }
.LBB2_2:
0x28: {  	[hbm4b:s23+s24] =	stream.linear.scatter @!p3 [tilespmem:s25], [sflag:$0x3], $0x3800, $0x38;
	[tilespmem:$0x1F980] =	vst v63  }
0x29: {  	s23 =	sadd.s32 @!p2 s20, s9;
	s24 =	simm.s32 @!p2 $0x0;
	p1 =	sgt.s32 s22, $0xFFFFFFFF  }
0x2a: {  	[hbm4b:s23+s24] =	stream.linear.scatter @!p2 [tilespmem:s21], [sflag:$0x3], $0x3800, $0x38;
	[tilespmem:$0x1F980] =	vst v63  }
0x2b: {  	s22 =	simm.s32 @!p0 $0x0;
	s21 =	sadd.s32 @!p0 s20, s8;
	s23 =	simm.s32 @!p0 $0x1C180  }
0x2c: {  	[hbm4b:s21+s22] =	stream.linear.scatter @!p0 [tilespmem:s23], [sflag:$0x3], $0x3800, $0x38;
	[tilespmem:$0x1F980] =	vst v63  }
0x2d: {  	s20 =	sadd.s32 @!p1 s20, s7;
	s21 =	simm.s32 @!p1 $0x0;
	s22 =	simm.s32 @!p1 $0x1C180  }
0x2e: {  	[hbm4b:s20+s21] =	stream.linear.scatter @!p1 [tilespmem:s22], [sflag:$0x3], $0x3800, $0x38;
	[tilespmem:$0x1F980] =	vst v63  }
0x2f: {  	s20 =	smov.u32 s16;
	s16 =	smov.u32 s18;
	s18 =	sadd.s32 $0x1C00, s18;
	v0 =	vld [tilespmem:s17+$0x0]  }
0x30: {  	p1 =	sne.s32 s18, $0x2A000;
	s17 =	smov.u32 s19;
	_ =	sdelay $0x3  }
0x31: {  	(v2sf) =	vpush v0, $0x2  }
0x32: {  	(v2sf) =	vpush v0, $0x1  }
0x33: {  	(v2sf) =	vpush v0, $0x0  }
0x34: {  	(v2sf) =	vpush v0, $0x3;
	_ =	sdelay $0xb  }
.Ltmp0:
0x35: {  	s21 =	spop (v2sf);
	(pc) =	sbr.rel @p1 .LBB2_2-.Ltmp0, $4  }
0x36: {  	s19 =	sadd.s32 $0x10, s19;
	s22 =	spop (v2sf)  }
0x37: {  	p0 =	sgt.s32 s21, $0xFFFFFFFF;
	p2 =	sgt.s32 s22, $0xFFFFFFFF;
	s21 =	spop (v2sf)  }
0x38: {  	p3 =	sgt.s32 s21, $0xFFFFFFFF;
	s21 =	simm.s32 @!p2 $0x1C180;
	s22 =	spop (v2sf)  }
0x39: {  	s23 =	sadd.s32 @!p3 s20, s10;
	s24 =	simm.s32 @!p3 $0x0;
	s25 =	simm.s32 @!p3 $0x1C180  }
0x3a: {  	[hbm4b:s23+s24] =	stream.linear.scatter @!p3 [tilespmem:s25], [sflag:$0x3], $0x3800, $0x38;
	[tilespmem:$0x1F980] =	vst v63  }
0x3b: {  	s18 =	sadd.s32 @!p2 s20, s9;
	s19 =	simm.s32 @!p2 $0x0;
	p1 =	sgt.s32 s22, $0xFFFFFFFF  }
0x3c: {  	[hbm4b:s18+s19] =	stream.linear.scatter @!p2 [tilespmem:s21], [sflag:$0x3], $0x3800, $0x38;
	[tilespmem:$0x1F980] =	vst v63  }
0x3d: {  	s18 =	sadd.s32 @!p0 s20, s8;
	s19 =	simm.s32 @!p0 $0x0;
	s21 =	simm.s32 @!p0 $0x1C180  }
0x3e: {  	[hbm4b:s18+s19] =	stream.linear.scatter @!p0 [tilespmem:s21], [sflag:$0x3], $0x3800, $0x38;
	[tilespmem:$0x1F980] =	vst v63  }
0x3f: {  	s18 =	sadd.s32 @!p1 s20, s7;
	s19 =	simm.s32 @!p1 $0x0;
	s20 =	simm.s32 @!p1 $0x1C180  }
0x40: {  	[hbm4b:s18+s19] =	stream.linear.scatter @!p1 [tilespmem:s20], [sflag:$0x3], $0x3800, $0x38;
	[tilespmem:$0x1F980] =	vst v63  }
0x41: {  	v0 =	vld [tilespmem:s17+$0x0];
	_ =	sdelay $0x4  }
0x42: {  	(v2sf) =	vpush v0, $0x2  }
0x43: {  	(v2sf) =	vpush v0, $0x1  }
0x44: {  	(v2sf) =	vpush v0, $0x0  }
0x45: {  	(v2sf) =	vpush v0, $0x3;
	_ =	sdelay $0xb  }
0x46: {  	s26 =	spop (v2sf)  }
0x47: {  	s28 =	spop (v2sf);
	p0 =	sgt.s32 s26, $0xFFFFFFFF  }
0x48: {  	p1 =	sgt.s32 s28, $0xFFFFFFFF;
	s29 =	spop (v2sf);
	s18 =	simm.s32 @!p0 $0x0  }
0x49: {  	p2 =	sgt.s32 s29, $0xFFFFFFFF;
	s17 =	simm.s32 @!p1 $0x1C180;
	s30 =	spop (v2sf)  }
0x4a: {  	s19 =	sadd.s32 @!p2 s16, s10;
	s20 =	simm.s32 @!p2 $0x0;
	s21 =	simm.s32 @!p2 $0x1C180  }
0x4b: {  	[hbm4b:s19+s20] =	stream.linear.scatter @!p2 [tilespmem:s21], [sflag:$0x3], $0x3800, $0x38;
	[tilespmem:$0x1F980] =	vst v63  }
0x4c: {  	s19 =	sadd.s32 @!p1 s16, s9;
	s20 =	simm.s32 @!p1 $0x0;
	p2 =	sgt.s32 s30, $0xFFFFFFFF  }
0x4d: {  	[hbm4b:s19+s20] =	stream.linear.scatter @!p1 [tilespmem:s17], [sflag:$0x3], $0x3800, $0x38;
	[tilespmem:$0x1F980] =	vst v63  }
0x4e: {  	s17 =	sadd.s32 @!p0 s16, s8;
	s19 =	simm.s32 @!p0 $0x1C180;
	s16 =	sadd.s32 @!p2 s16, s7  }
0x4f: {  	[hbm4b:s17+s18] =	stream.linear.scatter @!p0 [tilespmem:s19], [sflag:$0x3], $0x3800, $0x38;
	[tilespmem:$0x1F980] =	vst v63  }
0x50: {  	s17 =	simm.s32 @!p2 $0x0;
	s18 =	simm.s32 @!p2 $0x1C180;
	p0 =	por $0x1, $0x1  }
0x51: {  	[hbm4b:s16+s17] =	stream.linear.scatter @!p2 [tilespmem:s18], [sflag:$0x3], $0x3800, $0x38;
	[tilespmem:$0x1F980] =	vst v63  }
0x52: {  	s16 =	simm.s32 @!p0 $0x0  }
0x53: {  	v0 =	vld @!p0 [tilespmem:s16+$0xFFFFFFE0];
	_ =	sdelay $0x4  }
0x54: {  	(v2sf) =	vpush @!p0 v0, $0x0  }
0x55: {  	(v2sf) =	vpush @!p0 v0, $0x1  }
0x56: {  	(v2sf) =	vpush @!p0 v0, $0x2  }
0x57: {  	(v2sf) =	vpush @!p0 v0, $0x3;
	_ =	sdelay $0xb  }
0x58: {  	s16 =	spop @!p0 (v2sf)  }
0x59: {  	p1 =	slt.s32 @!p0 s16, $0x0;
	s16 =	spop @!p0 (v2sf)  }
0x5a: {  	p1 =	por p1, p0;
	s17 =	spop @!p0 (v2sf)  }
0x5b: {  	s18 =	simm.s32 @!p1 $0x2;
	s19 =	spop @!p0 (v2sf)  }
0x5c: {  	p2 =	slt.s32 @!p0 s16, $0x0;
	_ =	swait.ge @!p1 [sflag:s18], $0x3800  }
0x5d: {  	p2 =	por p2, p0;
	[sflag:s18] =	ssyncset.done @!p1 $0x0  }
0x5e: {  	s16 =	simm.s32 @!p2 $0x2;
	[sflag:s18] =	ssyncadd.s32 @!p1 $0xFFFFC800  }
0x5f: {  	p1 =	slt.s32 @!p0 s17, $0x0;
	_ =	swait.ge @!p2 [sflag:s16], $0x3800  }
0x60: {  	p1 =	por p1, p0;
	[sflag:s16] =	ssyncset.done @!p2 $0x0  }
0x61: {  	[sflag:s16] =	ssyncadd.s32 @!p2 $0xFFFFC800;
	s16 =	simm.s32 @!p1 $0x2  }
0x62: {  	p2 =	slt.s32 @!p0 s19, $0x0;
	_ =	swait.ge @!p1 [sflag:s16], $0x3800  }
0x63: {  	p2 =	por p2, p0;
	[sflag:s16] =	ssyncset.done @!p1 $0x0  }
0x64: {  	[sflag:s16] =	ssyncadd.s32 @!p1 $0xFFFFC800;
	s16 =	simm.s32 @!p2 $0x2  }
0x65: {  	s17 =	simm.s32 $0x0;
	_ =	swait.ge @!p2 [sflag:s16], $0x3800  }
0x66: {  	s17 =	simm.s32 @p0 $0x0;
	[sflag:s16] =	ssyncset.done @!p2 $0x0  }
0x67: {  	[sflag:s16] =	ssyncadd.s32 @!p2 $0xFFFFC800;
	s16 =	sshra.s32 s17, $0x2  }
0x68: {  	v60 =	vld [tilespmem:s16+$0x0];
	_ =	sdelay $0x4  }
0x69: {  	(v2sf) =	vpush v60, $0x0  }
0x6a: {  	(v2sf) =	vpush v60, $0x2  }
0x6b: {  	(v2sf) =	vpush v60, $0x1;
	_ =	sdelay $0x4  }
0x6c: {  	(v2sf) =	vpush v60, $0x3;
	_ =	sdelay $0x7  }
0x6d: {  	s17 =	spop (v2sf)  }
0x6e: {  	p2 =	slt.s32 s17, $0x0;
	s18 =	spop (v2sf)  }
0x6f: {  	s17 =	smul.u32 @!p2 $0x700, s17;
	s19 =	spop (v2sf)  }
0x70: {  	s20 =	simm.s32 @!p2 $0x0;
	p1 =	slt.s32 s18, $0x0;
	s21 =	simm.s32 @!p2 $0x180  }
0x71: {  	p3 =	slt.s32 s19, $0x0;
	s18 =	smul.u32 @!p1 $0x700, s18;
	s17 =	sadd.s32 @!p2 s1, s17  }
0x72: {  	[tilespmem:s21], [sflag:$0x1] =	stream.linear.gather @!p2 [hbm4b:s17+s20], $0x3800, $0x38;
	[tilespmem:$0x1F980] =	vst v63  }
0x73: {  	s17 =	smul.u32 @!p3 $0x700, s19  }
0x74: {  	s19 =	simm.s32 @!p3 $0x0;
	s18 =	sadd.s32 @!p1 s1, s18;
	s20 =	spop (v2sf)  }
0x75: {  	s21 =	simm.s32 @!p3 $0x3980;
	p2 =	slt.s32 s20, $0x0;
	s17 =	sadd.s32 @!p3 s1, s17  }
0x76: {  	[tilespmem:s21], [sflag:$0x1] =	stream.linear.gather @!p3 [hbm4b:s17+s19], $0x3800, $0x38;
	[tilespmem:$0x1F980] =	vst v63  }
0x77: {  	s20 =	smul.u32 @!p2 $0x700, s20;
	s17 =	simm.s32 @!p1 $0x0;
	s19 =	simm.s32 @!p1 $0x7180  }
0x78: {  	[tilespmem:s19], [sflag:$0x1] =	stream.linear.gather @!p1 [hbm4b:s18+s17], $0x3800, $0x38;
	[tilespmem:$0x1F980] =	vst v63  }
0x79: {  	s17 =	sadd.s32 @!p2 s1, s20;
	s18 =	simm.s32 @!p2 $0x0;
	s19 =	simm.s32 @!p2 $0xA980  }
0x7a: {  	[tilespmem:s19], [sflag:$0x1] =	stream.linear.gather @!p2 [hbm4b:s17+s18], $0x3800, $0x38;
	[tilespmem:$0x1F980] =	vst v63  }
0x7b: {  	v0 =	vld @!p0 [tilespmem:s16+$0xFFFFFFF0];
	_ =	sdelay $0x4  }
0x7c: {  	(v2sf) =	vpush @!p0 v0, $0x0  }
0x7d: {  	(v2sf) =	vpush @!p0 v0, $0x1  }
0x7e: {  	(v2sf) =	vpush @!p0 v0, $0x2  }
0x7f: {  	(v2sf) =	vpush @!p0 v0, $0x3;
	_ =	sdelay $0xb  }
0x80: {  	s17 =	spop @!p0 (v2sf)  }
0x81: {  	p1 =	slt.s32 @!p0 s17, $0x0;
	s17 =	spop @!p0 (v2sf)  }
0x82: {  	p1 =	por p1, p0;
	s18 =	spop @!p0 (v2sf)  }
0x83: {  	s19 =	simm.s32 @!p1 $0x2;
	s20 =	spop @!p0 (v2sf)  }
0x84: {  	p2 =	slt.s32 @!p0 s17, $0x0;
	_ =	swait.ge @!p1 [sflag:s19], $0x3800  }
0x85: {  	p2 =	por p2, p0;
	[sflag:s19] =	ssyncset.done @!p1 $0x0  }
0x86: {  	s17 =	simm.s32 @!p2 $0x2;
	[sflag:s19] =	ssyncadd.s32 @!p1 $0xFFFFC800  }
0x87: {  	p1 =	slt.s32 @!p0 s18, $0x0;
	_ =	swait.ge @!p2 [sflag:s17], $0x3800  }
0x88: {  	p1 =	por p1, p0;
	[sflag:s17] =	ssyncset.done @!p2 $0x0  }
0x89: {  	[sflag:s17] =	ssyncadd.s32 @!p2 $0xFFFFC800;
	s17 =	simm.s32 @!p1 $0x2  }
0x8a: {  	p2 =	slt.s32 @!p0 s20, $0x0;
	_ =	swait.ge @!p1 [sflag:s17], $0x3800  }
0x8b: {  	p0 =	por p2, p0;
	[sflag:s17] =	ssyncset.done @!p1 $0x0  }
0x8c: {  	[sflag:s17] =	ssyncadd.s32 @!p1 $0xFFFFC800;
	s17 =	simm.s32 @!p0 $0x2  }
0x8d: {  	_ =	swait.ge @!p0 [sflag:s17], $0x3800  }
0x8e: {  	[sflag:s17] =	ssyncset.done @!p0 $0x0  }
0x8f: {  	s31 =	simm.s32 $0x0;
	[sflag:s17] =	ssyncadd.s32 @!p0 $0xFFFFC800  }
0x90: {  	v61 =	vld [tilespmem:s31+$0x10];
	_ =	sdelay $0x4  }
0x91: {  	(v2sf) =	vpush v61, $0x0  }
0x92: {  	(v2sf) =	vpush v61, $0x1  }
0x93: {  	(v2sf) =	vpush v61, $0x2;
	_ =	sdelay $0x1  }
0x94: {  	(v2sf) =	vpush v61, $0x3;
	_ =	sdelay $0xa  }
0x95: {  	s18 =	spop (v2sf)  }
0x96: {  	p2 =	slt.s32 s18, $0x0;
	s19 =	spop (v2sf)  }
0x97: {  	s18 =	smul.u32 @!p2 $0x700, s18;
	p1 =	slt.s32 s19, $0x0;
	s20 =	spop (v2sf)  }
0x98: {  	s22 =	simm.s32 @!p2 $0x0;
	s23 =	simm.s32 @!p2 $0xE180;
	s19 =	smul.u32 @!p1 $0x700, s19  }
0x99: {  	p0 =	slt.s32 s20, $0x0;
	s21 =	spop (v2sf);
	s24 =	simm.s32 @!p1 $0x0  }
0x9a: {  	s18 =	sadd.s32 @!p2 s1, s18;
	s20 =	smul.u32 @!p0 $0x700, s20;
	s19 =	sadd.s32 @!p1 s1, s19  }
0x9b: {  	[tilespmem:s23], [sflag:$0x1] =	stream.linear.gather @!p2 [hbm4b:s18+s22], $0x3800, $0x38;
	[tilespmem:$0x1F980] =	vst v63  }
0x9c: {  	s18 =	simm.s32 @!p1 $0x11980;
	p2 =	slt.s32 s21, $0x0;
	s20 =	sadd.s32 @!p0 s1, s20  }
0x9d: {  	[tilespmem:s18], [sflag:$0x1] =	stream.linear.gather @!p1 [hbm4b:s19+s24], $0x3800, $0x38;
	[tilespmem:$0x1F980] =	vst v63  }
0x9e: {  	s21 =	smul.u32 @!p2 $0x700, s21;
	s18 =	simm.s32 @!p0 $0x0;
	s19 =	simm.s32 @!p0 $0x15180  }
0x9f: {  	[tilespmem:s19], [sflag:$0x1] =	stream.linear.gather @!p0 [hbm4b:s20+s18], $0x3800, $0x38;
	[tilespmem:$0x1F980] =	vst v63  }
0xa0: {  	s18 =	sadd.s32 @!p2 s1, s21;
	s19 =	simm.s32 @!p2 $0x0;
	s20 =	simm.s32 @!p2 $0x18980  }
0xa1: {  	[tilespmem:s20], [sflag:$0x1] =	stream.linear.gather @!p2 [hbm4b:s18+s19], $0x3800, $0x38;
	[tilespmem:$0x1F980] =	vst v63  }
0xa2: {  	v62 =	vld [tilespmem:s16+$0x0];
	_ =	sdelay $0x4  }
0xa3: {  	(v2sf) =	vpush v62, $0x0  }
0xa4: {  	(v2sf) =	vpush v62, $0x1  }
0xa5: {  	(v2sf) =	vpush v62, $0x2;
	_ =	sdelay $0x2  }
0xa6: {  	(v2sf) =	vpush v62, $0x3;
	_ =	sdelay $0x9  }
0xa7: {  	s24 =	spop (v2sf)  }
0xa8: {  	p0 =	slt.s32 s24, $0x0;
	s25 =	spop (v2sf)  }
0xa9: {  	s18 =	simm.s32 @!p0 $0x1;
	s26 =	spop (v2sf)  }
0xaa: {  	_ =	swait.ge @!p0 [sflag:s18], $0x3800  }
0xab: {  	p1 =	slt.s32 s25, $0x0;
	[sflag:s18] =	ssyncset.done @!p0 $0x0  }
0xac: {  	s28 =	spop (v2sf);
	[sflag:s18] =	ssyncadd.s32 @!p0 $0xFFFFC800;
	s18 =	simm.s32 @!p1 $0x1  }
0xad: {  	_ =	swait.ge @!p1 [sflag:s18], $0x3800  }
0xae: {  	p2 =	slt.s32 s26, $0x0;
	[sflag:s18] =	ssyncset.done @!p1 $0x0  }
0xaf: {  	[sflag:s18] =	ssyncadd.s32 @!p1 $0xFFFFC800;
	s18 =	simm.s32 @!p2 $0x1  }
0xb0: {  	_ =	swait.ge @!p2 [sflag:s18], $0x3800  }
0xb1: {  	p3 =	slt.s32 s28, $0x0;
	[sflag:s18] =	ssyncset.done @!p2 $0x0  }
0xb2: {  	s16 =	simm.s32 @!p3 $0x1;
	[sflag:s18] =	ssyncadd.s32 @!p2 $0xFFFFC800  }
0xb3: {  	_ =	swait.ge @!p3 [sflag:s16], $0x3800  }
0xb4: {  	s19 =	simm.s32 @!p0 $0x180;
	s20 =	simm.s32 @!p0 $0x0;
	[sflag:s16] =	ssyncset.done @!p3 $0x0  }
0xb5: {  	s18 =	sadd.s32 @!p1 $0x0, s10;
	[sflag:s16] =	ssyncadd.s32 @!p3 $0xFFFFC800;
	s16 =	sadd.s32 @!p0 $0x0, s10  }
0xb6: {  	[hbm4b:s16+s20] =	stream.linear.scatter @!p0 [tilespmem:s19], [sflag:$0x2], $0x3800, $0x38;
	[tilespmem:$0x1F980] =	vst v63  }
0xb7: {  	s16 =	sadd.s32 @!p1 $0x700, s18;
	s18 =	simm.s32 @!p1 $0x0;
	s19 =	simm.s32 @!p1 $0x3980  }
0xb8: {  	[hbm4b:s16+s18] =	stream.linear.scatter @!p1 [tilespmem:s19], [sflag:$0x2], $0x3800, $0x38;
	[tilespmem:$0x1F980] =	vst v63  }
0xb9: {  	s16 =	sadd.s32 @!p2 $0x0, s8;
	s18 =	simm.s32 @!p2 $0x0;
	s19 =	simm.s32 @!p2 $0x7180  }
0xba: {  	[hbm4b:s16+s18] =	stream.linear.scatter @!p2 [tilespmem:s19], [sflag:$0x2], $0x3800, $0x38;
	[tilespmem:$0x1F980] =	vst v63  }
0xbb: {  	s16 =	sadd.s32 @!p3 $0x0, s7;
	s18 =	simm.s32 @!p3 $0x0;
	s19 =	simm.s32 @!p3 $0xA980  }
0xbc: {  	[hbm4b:s16+s18] =	stream.linear.scatter @!p3 [tilespmem:s19], [sflag:$0x2], $0x3800, $0x38;
	[tilespmem:$0x1F980] =	vst v63  }
0xbd: {  	v63 =	vld [tilespmem:s31+$0x10];
	_ =	sdelay $0x4  }
0xbe: {  	(v2sf) =	vpush v63, $0x0  }
0xbf: {  	(v2sf) =	vpush v63, $0x1  }
0xc0: {  	(v2sf) =	vpush v63, $0x2;
	_ =	sdelay $0x2  }
0xc1: {  	(v2sf) =	vpush v63, $0x3;
	_ =	sdelay $0x9  }
0xc2: {  	s29 =	spop (v2sf)  }
0xc3: {  	p1 =	slt.s32 s29, $0x0;
	s30 =	spop (v2sf)  }
0xc4: {  	s17 =	simm.s32 $0x0;
	s19 =	simm.s32 @!p1 $0x1;
	s31 =	spop (v2sf)  }
0xc5: {  	s18 =	simm.s32 $0x3800;
	s16 =	simm.s32 $0x0;
	_ =	swait.ge @!p1 [sflag:s19], $0x3800  }
0xc6: {  	s22 =	sadd.s32 @!p1 $0x0, s10;
	p3 =	slt.s32 s30, $0x0;
	[sflag:s19] =	ssyncset.done @!p1 $0x0  }
0xc7: {  	s21 =	simm.s32 @!p3 $0x1;
	s20 =	spop (v2sf);
	[sflag:s19] =	ssyncadd.s32 @!p1 $0xFFFFC800  }
0xc8: {  	p2 =	slt.s32 s31, $0x0;
	s19 =	sadd.s32 @!p1 $0x1C00, s22;
	_ =	swait.ge @!p3 [sflag:s21], $0x3800  }
.LBB2_4:
0xc9: {  	[sflag:s21] =	ssyncset.done @!p3 $0x0  }
0xca: {  	[sflag:s21] =	ssyncadd.s32 @!p3 $0xFFFFC800;
	s21 =	simm.s32 @!p2 $0x1  }
0xcb: {  	s17 =	sadd.s32 $0x80, s17;
	_ =	swait.ge @!p2 [sflag:s21], $0x3800  }
0xcc: {  	s22 =	smov.u32 s18;
	p4 =	slt.s32 s20, $0x0;
	[sflag:s21] =	ssyncset.done @!p2 $0x0  }
0xcd: {  	s23 =	simm.s32 @!p1 $0xE180;
	s20 =	simm.s32 @!p4 $0x1;
	[sflag:s21] =	ssyncadd.s32 @!p2 $0xFFFFC800  }
0xce: {  	s24 =	simm.s32 @!p2 $0x0;
	s25 =	simm.s32 @!p1 $0x0;
	_ =	swait.ge @!p4 [sflag:s20], $0x3800  }
0xcf: {  	s21 =	simm.s32 @!p2 $0x15180;
	[sflag:s20] =	ssyncset.done @!p4 $0x0;
	s26 =	rddreg [dreg:$0x4]  }
0xd0: {  	s28 =	rddreg [dreg:$0x5];
	[sflag:s20] =	ssyncadd.s32 @!p4 $0xFFFFC800;
	s20 =	simm.s32 @!p3 $0x11980  }
0xd1: {  	[hbm4b:s19+s25] =	stream.linear.scatter @!p1 [tilespmem:s23], [sflag:$0x2], $0x3800, $0x38;
	[tilespmem:$0x1F980] =	vst v63  }
0xd2: {  	s19 =	sadd.s32 @!p3 s16, s26;
	s23 =	simm.s32 @!p3 $0x0;
	s25 =	rddreg [dreg:$0x6]  }
0xd3: {  	[hbm4b:s19+s23] =	stream.linear.scatter @!p3 [tilespmem:s20], [sflag:$0x2], $0x3800, $0x38;
	[tilespmem:$0x1F980] =	vst v63  }
0xd4: {  	p1 =	seq.s32 s22, $0x0;
	s19 =	sadd.s32 @!p2 s16, s28;
	s20 =	simm.s32 @!p4 $0x18980  }
0xd5: {  	[hbm4b:s19+s24] =	stream.linear.scatter @!p2 [tilespmem:s21], [sflag:$0x2], $0x3800, $0x38;
	[tilespmem:$0x1F980] =	vst v63  }
0xd6: {  	s16 =	sadd.s32 @!p4 s16, s25;
	s19 =	sshra.s32 @!p1 s17, $0x2;
	s21 =	simm.s32 @!p4 $0x0  }
0xd7: {  	[hbm4b:s16+s21] =	stream.linear.scatter @!p4 [tilespmem:s20], [sflag:$0x2], $0x3800, $0x38;
	[tilespmem:$0x1F980] =	vst v63  }
0xd8: {  	v0 =	vld @!p1 [tilespmem:s19+$0xFFFFFFE0];
	_ =	sdelay $0x4  }
0xd9: {  	(v2sf) =	vpush @!p1 v0, $0x0  }
0xda: {  	(v2sf) =	vpush @!p1 v0, $0x1  }
0xdb: {  	(v2sf) =	vpush @!p1 v0, $0x2  }
0xdc: {  	(v2sf) =	vpush @!p1 v0, $0x3;
	_ =	sdelay $0xb  }
0xdd: {  	s20 =	spop @!p1 (v2sf)  }
0xde: {  	p2 =	slt.s32 @!p1 s20, $0x0;
	s20 =	spop @!p1 (v2sf)  }
0xdf: {  	p4 =	por p2, p1;
	p5 =	slt.s32 @!p1 s20, $0x0;
	s20 =	spop @!p1 (v2sf)  }
0xe0: {  	s21 =	simm.s32 @!p4 $0x2;
	p3 =	slt.s32 @!p1 s20, $0x0;
	s20 =	spop @!p1 (v2sf)  }
0xe1: {  	_ =	swait.ge @!p4 [sflag:s21], $0x3800  }
0xe2: {  	p5 =	por p5, p1;
	[sflag:s21] =	ssyncset.done @!p4 $0x0  }
0xe3: {  	p2 =	slt.s32 @!p1 s20, $0x0;
	s20 =	simm.s32 @!p5 $0x2;
	[sflag:s21] =	ssyncadd.s32 @!p4 $0xFFFFC800  }
0xe4: {  	_ =	swait.ge @!p5 [sflag:s20], $0x3800  }
0xe5: {  	p3 =	por p3, p1;
	[sflag:s20] =	ssyncset.done @!p5 $0x0  }
0xe6: {  	[sflag:s20] =	ssyncadd.s32 @!p5 $0xFFFFC800;
	s20 =	simm.s32 @!p3 $0x2  }
0xe7: {  	_ =	swait.ge @!p3 [sflag:s20], $0x3800  }
0xe8: {  	p2 =	por p2, p1;
	[sflag:s20] =	ssyncset.done @!p3 $0x0  }
0xe9: {  	[sflag:s20] =	ssyncadd.s32 @!p3 $0xFFFFC800;
	s20 =	simm.s32 @!p2 $0x2  }
0xea: {  	s19 =	smov.u32 s17;
	_ =	swait.ge @!p2 [sflag:s20], $0x3800  }
0xeb: {  	s19 =	simm.s32 @p1 $0x0;
	[sflag:s20] =	ssyncset.done @!p2 $0x0  }
0xec: {  	s19 =	sshra.s32 s19, $0x2;
	[sflag:s20] =	ssyncadd.s32 @!p2 $0xFFFFC800  }
0xed: {  	v60 =	vld [tilespmem:s19+$0x0];
	_ =	sdelay $0x4  }
0xee: {  	(v2sf) =	vpush v60, $0x0  }
0xef: {  	(v2sf) =	vpush v60, $0x2  }
0xf0: {  	(v2sf) =	vpush v60, $0x1;
	_ =	sdelay $0x4  }
0xf1: {  	(v2sf) =	vpush v60, $0x3;
	_ =	sdelay $0x7  }
0xf2: {  	s20 =	spop (v2sf)  }
0xf3: {  	p4 =	slt.s32 s20, $0x0;
	s21 =	spop (v2sf)  }
0xf4: {  	s16 =	smov.u32 s22;
	s20 =	smul.u32 @!p4 $0x700, s20;
	s22 =	spop (v2sf)  }
0xf5: {  	s23 =	simm.s32 @!p4 $0x0;
	p2 =	slt.s32 s21, $0x0;
	s24 =	simm.s32 @!p4 $0x180  }
0xf6: {  	p3 =	slt.s32 s22, $0x0;
	s21 =	smul.u32 @!p2 $0x700, s21;
	s20 =	sadd.s32 @!p4 s1, s20  }
0xf7: {  	[tilespmem:s24], [sflag:$0x1] =	stream.linear.gather @!p4 [hbm4b:s20+s23], $0x3800, $0x38;
	[tilespmem:$0x1F980] =	vst v63  }
0xf8: {  	s20 =	smul.u32 @!p3 $0x700, s22  }
0xf9: {  	s22 =	simm.s32 @!p3 $0x0;
	s21 =	sadd.s32 @!p2 s1, s21;
	s23 =	spop (v2sf)  }
0xfa: {  	s24 =	simm.s32 @!p3 $0x3980;
	p4 =	slt.s32 s23, $0x0;
	s20 =	sadd.s32 @!p3 s1, s20  }
0xfb: {  	[tilespmem:s24], [sflag:$0x1] =	stream.linear.gather @!p3 [hbm4b:s20+s22], $0x3800, $0x38;
	[tilespmem:$0x1F980] =	vst v63  }
0xfc: {  	s23 =	smul.u32 @!p4 $0x700, s23;
	s20 =	simm.s32 @!p2 $0x0;
	s22 =	simm.s32 @!p2 $0x7180  }
0xfd: {  	[tilespmem:s22], [sflag:$0x1] =	stream.linear.gather @!p2 [hbm4b:s21+s20], $0x3800, $0x38;
	[tilespmem:$0x1F980] =	vst v63  }
0xfe: {  	s20 =	sadd.s32 @!p4 s1, s23;
	s21 =	simm.s32 @!p4 $0x0;
	s22 =	simm.s32 @!p4 $0xA980  }
0xff: {  	[tilespmem:s22], [sflag:$0x1] =	stream.linear.gather @!p4 [hbm4b:s20+s21], $0x3800, $0x38;
	[tilespmem:$0x1F980] =	vst v63  }
0x100: {  	v0 =	vld @!p1 [tilespmem:s19+$0xFFFFFFF0];
	_ =	sdelay $0x4  }
0x101: {  	(v2sf) =	vpush @!p1 v0, $0x0  }
0x102: {  	(v2sf) =	vpush @!p1 v0, $0x1  }
0x103: {  	(v2sf) =	vpush @!p1 v0, $0x2  }
0x104: {  	(v2sf) =	vpush @!p1 v0, $0x3;
	_ =	sdelay $0xb  }
0x105: {  	s20 =	spop @!p1 (v2sf)  }
0x106: {  	p2 =	slt.s32 @!p1 s20, $0x0;
	s20 =	spop @!p1 (v2sf)  }
0x107: {  	p4 =	por p2, p1;
	p5 =	slt.s32 @!p1 s20, $0x0;
	s20 =	spop @!p1 (v2sf)  }
0x108: {  	s21 =	simm.s32 @!p4 $0x2;
	p3 =	slt.s32 @!p1 s20, $0x0;
	s20 =	spop @!p1 (v2sf)  }
0x109: {  	_ =	swait.ge @!p4 [sflag:s21], $0x3800  }
0x10a: {  	p5 =	por p5, p1;
	[sflag:s21] =	ssyncset.done @!p4 $0x0  }
0x10b: {  	p2 =	slt.s32 @!p1 s20, $0x0;
	s20 =	simm.s32 @!p5 $0x2;
	[sflag:s21] =	ssyncadd.s32 @!p4 $0xFFFFC800  }
0x10c: {  	_ =	swait.ge @!p5 [sflag:s20], $0x3800  }
0x10d: {  	p3 =	por p3, p1;
	[sflag:s20] =	ssyncset.done @!p5 $0x0  }
0x10e: {  	[sflag:s20] =	ssyncadd.s32 @!p5 $0xFFFFC800;
	s20 =	simm.s32 @!p3 $0x2  }
0x10f: {  	_ =	swait.ge @!p3 [sflag:s20], $0x3800  }
0x110: {  	p1 =	por p2, p1;
	[sflag:s20] =	ssyncset.done @!p3 $0x0  }
0x111: {  	[sflag:s20] =	ssyncadd.s32 @!p3 $0xFFFFC800;
	s20 =	simm.s32 @!p1 $0x2  }
0x112: {  	_ =	swait.ge @!p1 [sflag:s20], $0x3800  }
0x113: {  	[sflag:s20] =	ssyncset.done @!p1 $0x0  }
0x114: {  	s31 =	sshra.s32 s17, $0x2;
	[sflag:s20] =	ssyncadd.s32 @!p1 $0xFFFFC800  }
0x115: {  	v61 =	vld [tilespmem:s31+$0x10];
	_ =	sdelay $0x4  }
0x116: {  	(v2sf) =	vpush v61, $0x0  }
0x117: {  	(v2sf) =	vpush v61, $0x1  }
0x118: {  	(v2sf) =	vpush v61, $0x2;
	_ =	sdelay $0x1  }
0x119: {  	(v2sf) =	vpush v61, $0x3;
	_ =	sdelay $0xa  }
0x11a: {  	s21 =	spop (v2sf)  }
0x11b: {  	p3 =	slt.s32 s21, $0x0;
	s22 =	spop (v2sf)  }
0x11c: {  	s21 =	smul.u32 @!p3 $0x700, s21;
	p2 =	slt.s32 s22, $0x0;
	s23 =	spop (v2sf)  }
0x11d: {  	s25 =	simm.s32 @!p3 $0x0;
	s26 =	simm.s32 @!p3 $0xE180;
	s22 =	smul.u32 @!p2 $0x700, s22  }
0x11e: {  	p1 =	slt.s32 s23, $0x0;
	s24 =	spop (v2sf);
	s28 =	simm.s32 @!p2 $0x0  }
0x11f: {  	s29 =	simm.s32 @!p2 $0x11980;
	s21 =	sadd.s32 @!p3 s1, s21;
	s23 =	smul.u32 @!p1 $0x700, s23  }
0x120: {  	[tilespmem:s26], [sflag:$0x1] =	stream.linear.gather @!p3 [hbm4b:s21+s25], $0x3800, $0x38;
	[tilespmem:$0x1F980] =	vst v63  }
0x121: {  	s22 =	sadd.s32 @!p2 s1, s22;
	p3 =	slt.s32 s24, $0x0;
	s21 =	sadd.s32 @!p1 s1, s23  }
0x122: {  	[tilespmem:s29], [sflag:$0x1] =	stream.linear.gather @!p2 [hbm4b:s22+s28], $0x3800, $0x38;
	[tilespmem:$0x1F980] =	vst v63  }
0x123: {  	s23 =	simm.s32 @!p1 $0x15180;
	s24 =	smul.u32 @!p3 $0x700, s24;
	s22 =	simm.s32 @!p1 $0x0  }
0x124: {  	[tilespmem:s23], [sflag:$0x1] =	stream.linear.gather @!p1 [hbm4b:s21+s22], $0x3800, $0x38;
	[tilespmem:$0x1F980] =	vst v63  }
0x125: {  	s21 =	sadd.s32 @!p3 s1, s24;
	s22 =	simm.s32 @!p3 $0x0;
	s23 =	simm.s32 @!p3 $0x18980  }
0x126: {  	[tilespmem:s23], [sflag:$0x1] =	stream.linear.gather @!p3 [hbm4b:s21+s22], $0x3800, $0x38;
	[tilespmem:$0x1F980] =	vst v63  }
0x127: {  	v62 =	vld [tilespmem:s19+$0x0];
	_ =	sdelay $0x4  }
0x128: {  	(v2sf) =	vpush v62, $0x0  }
0x129: {  	(v2sf) =	vpush v62, $0x1  }
0x12a: {  	(v2sf) =	vpush v62, $0x2;
	_ =	sdelay $0x2  }
0x12b: {  	(v2sf) =	vpush v62, $0x3;
	_ =	sdelay $0x9  }
0x12c: {  	s24 =	spop (v2sf)  }
0x12d: {  	p1 =	slt.s32 s24, $0x0;
	s25 =	spop (v2sf)  }
0x12e: {  	s21 =	simm.s32 @!p1 $0x1;
	s26 =	spop (v2sf)  }
0x12f: {  	_ =	swait.ge @!p1 [sflag:s21], $0x3800  }
0x130: {  	p2 =	slt.s32 s25, $0x0;
	[sflag:s21] =	ssyncset.done @!p1 $0x0  }
0x131: {  	s19 =	simm.s32 @!p2 $0x1;
	s28 =	spop (v2sf);
	[sflag:s21] =	ssyncadd.s32 @!p1 $0xFFFFC800  }
0x132: {  	_ =	swait.ge @!p2 [sflag:s19], $0x3800  }
0x133: {  	p3 =	slt.s32 s26, $0x0;
	[sflag:s19] =	ssyncset.done @!p2 $0x0  }
0x134: {  	[sflag:s19] =	ssyncadd.s32 @!p2 $0xFFFFC800;
	s19 =	simm.s32 @!p3 $0x1  }
0x135: {  	_ =	swait.ge @!p3 [sflag:s19], $0x3800  }
0x136: {  	p4 =	slt.s32 s28, $0x0;
	[sflag:s19] =	ssyncset.done @!p3 $0x0  }
0x137: {  	[sflag:s19] =	ssyncadd.s32 @!p3 $0xFFFFC800;
	s19 =	simm.s32 @!p4 $0x1  }
0x138: {  	_ =	swait.ge @!p4 [sflag:s19], $0x3800  }
0x139: {  	s22 =	simm.s32 @!p1 $0x180;
	s23 =	simm.s32 @!p1 $0x0;
	[sflag:s19] =	ssyncset.done @!p4 $0x0  }
0x13a: {  	s21 =	sadd.s32 @!p2 s16, s10;
	[sflag:s19] =	ssyncadd.s32 @!p4 $0xFFFFC800;
	s19 =	sadd.s32 @!p1 s16, s10  }
0x13b: {  	[hbm4b:s19+s23] =	stream.linear.scatter @!p1 [tilespmem:s22], [sflag:$0x2], $0x3800, $0x38;
	[tilespmem:$0x1F980] =	vst v63  }
0x13c: {  	s21 =	sadd.s32 @!p2 $0x700, s21;
	s19 =	simm.s32 @!p2 $0x0;
	s22 =	simm.s32 @!p2 $0x3980  }
0x13d: {  	[hbm4b:s21+s19] =	stream.linear.scatter @!p2 [tilespmem:s22], [sflag:$0x2], $0x3800, $0x38;
	[tilespmem:$0x1F980] =	vst v63  }
0x13e: {  	s19 =	sadd.s32 @!p3 s16, s8;
	s21 =	simm.s32 @!p3 $0x0;
	s22 =	simm.s32 @!p3 $0x7180  }
0x13f: {  	[hbm4b:s19+s21] =	stream.linear.scatter @!p3 [tilespmem:s22], [sflag:$0x2], $0x3800, $0x38;
	[tilespmem:$0x1F980] =	vst v63  }
0x140: {  	s19 =	sadd.s32 @!p4 s16, s7;
	s21 =	simm.s32 @!p4 $0x0;
	s22 =	simm.s32 @!p4 $0xA980  }
0x141: {  	[hbm4b:s19+s21] =	stream.linear.scatter @!p4 [tilespmem:s22], [sflag:$0x2], $0x3800, $0x38;
	[tilespmem:$0x1F980] =	vst v63  }
0x142: {  	v63 =	vld [tilespmem:s31+$0x10];
	_ =	sdelay $0x4  }
0x143: {  	(v2sf) =	vpush v63, $0x0  }
0x144: {  	(v2sf) =	vpush v63, $0x1  }
0x145: {  	(v2sf) =	vpush v63, $0x2;
	_ =	sdelay $0x2  }
0x146: {  	(v2sf) =	vpush v63, $0x3;
	_ =	sdelay $0x9  }
0x147: {  	s18 =	sadd.s32 $0x3800, s18;
	s29 =	spop (v2sf)  }
0x148: {  	p0 =	sne.s32 s18, $0x2A000;
	p1 =	slt.s32 s29, $0x0;
	s30 =	spop (v2sf)  }
.Ltmp1:
0x149: {  	s21 =	simm.s32 @!p1 $0x1;
	s31 =	spop (v2sf);
	(pc) =	sbr.rel @p0 .LBB2_4-.Ltmp1, $4  }
0x14a: {  	_ =	swait.ge @!p1 [sflag:s21], $0x3800  }
0x14b: {  	s22 =	sadd.s32 @!p1 s16, s10;
	p3 =	slt.s32 s30, $0x0;
	[sflag:s21] =	ssyncset.done @!p1 $0x0  }
0x14c: {  	s20 =	spop (v2sf);
	[sflag:s21] =	ssyncadd.s32 @!p1 $0xFFFFC800;
	s21 =	simm.s32 @!p3 $0x1  }
0x14d: {  	p2 =	slt.s32 s31, $0x0;
	s19 =	sadd.s32 @!p1 $0x1C00, s22;
	_ =	swait.ge @!p3 [sflag:s21], $0x3800  }
0x14e: {  	[sflag:s21] =	ssyncset.done @!p3 $0x0  }
0x14f: {  	s17 =	simm.s32 @!p2 $0x1;
	[sflag:s21] =	ssyncadd.s32 @!p3 $0xFFFFC800  }
0x150: {  	_ =	swait.ge @!p2 [sflag:s17], $0x3800  }
0x151: {  	p0 =	slt.s32 s20, $0x0;
	[sflag:s17] =	ssyncset.done @!p2 $0x0  }
0x152: {  	[sflag:s17] =	ssyncadd.s32 @!p2 $0xFFFFC800;
	s17 =	simm.s32 @!p0 $0x1  }
0x153: {  	s18 =	simm.s32 @!p1 $0xE180;
	_ =	swait.ge @!p0 [sflag:s17], $0x3800  }
0x154: {  	s20 =	simm.s32 @!p1 $0x0;
	[sflag:s17] =	ssyncset.done @!p0 $0x0;
	s21 =	rddreg [dreg:$0x4]  }
0x155: {  	s22 =	rddreg [dreg:$0x5];
	[sflag:s17] =	ssyncadd.s32 @!p0 $0xFFFFC800;
	s17 =	simm.s32 @!p3 $0x11980  }
0x156: {  	[hbm4b:s19+s20] =	stream.linear.scatter @!p1 [tilespmem:s18], [sflag:$0x2], $0x3800, $0x38;
	[tilespmem:$0x1F980] =	vst v63  }
0x157: {  	s18 =	sadd.s32 @!p3 s16, s21;
	s19 =	simm.s32 @!p3 $0x0;
	s20 =	rddreg [dreg:$0x6]  }
0x158: {  	[hbm4b:s18+s19] =	stream.linear.scatter @!p3 [tilespmem:s17], [sflag:$0x2], $0x3800, $0x38;
	[tilespmem:$0x1F980] =	vst v63  }
0x159: {  	s17 =	simm.s32 @!p2 $0x15180;
	s18 =	simm.s32 @!p2 $0x0;
	s19 =	sadd.s32 @!p2 s16, s22  }
0x15a: {  	[hbm4b:s19+s18] =	stream.linear.scatter @!p2 [tilespmem:s17], [sflag:$0x2], $0x3800, $0x38;
	[tilespmem:$0x1F980] =	vst v63  }
0x15b: {  	s16 =	sadd.s32 @!p0 s16, s20;
	s17 =	simm.s32 @!p0 $0x18980;
	s18 =	simm.s32 @!p0 $0x0  }
0x15c: {  	[hbm4b:s16+s18] =	stream.linear.scatter @!p0 [tilespmem:s17], [sflag:$0x2], $0x3800, $0x38;
	[tilespmem:$0x1F980] =	vst v63  }
0x15d: {  	v0 =	vld [tilespmem:$0x160];
	_ =	sdelay $0x4  }
0x15e: {  	(v2sf) =	vpush v0, $0x0;
	_ =	sdelay $0xe  }
0x15f: {  	s18 =	spop (v2sf)  }
0x160: {  	p0 =	slt.s32 s18, $0x0  }
0x161: {  	s16 =	simm.s32 @!p0 $0x2  }
0x162: {  	_ =	swait.ge @!p0 [sflag:s16], $0x3800  }
0x163: {  	(v2sf) =	vpush v0, $0x1;
	_ =	sdelay $0xe  }
0x164: {  	s19 =	spop (v2sf)  }
0x165: {  	[sflag:s16] =	ssyncset.done @!p0 $0x0;
	p1 =	slt.s32 s19, $0x0  }
0x166: {  	[sflag:s16] =	ssyncadd.s32 @!p0 $0xFFFFC800;
	s16 =	simm.s32 @!p1 $0x2  }
0x167: {  	_ =	swait.ge @!p1 [sflag:s16], $0x3800  }
0x168: {  	(v2sf) =	vpush v0, $0x2;
	_ =	sdelay $0xe  }
0x169: {  	s20 =	spop (v2sf)  }
0x16a: {  	[sflag:s16] =	ssyncset.done @!p1 $0x0;
	p0 =	slt.s32 s20, $0x0  }
0x16b: {  	[sflag:s16] =	ssyncadd.s32 @!p1 $0xFFFFC800;
	s16 =	simm.s32 @!p0 $0x2  }
0x16c: {  	_ =	swait.ge @!p0 [sflag:s16], $0x3800  }
0x16d: {  	(v2sf) =	vpush v0, $0x3;
	_ =	sdelay $0xe  }
0x16e: {  	s21 =	spop (v2sf)  }
0x16f: {  	[sflag:s16] =	ssyncset.done @!p0 $0x0;
	p1 =	slt.s32 s21, $0x0  }
0x170: {  	[sflag:s16] =	ssyncadd.s32 @!p0 $0xFFFFC800;
	s16 =	simm.s32 @!p1 $0x2  }
0x171: {  	_ =	swait.ge @!p1 [sflag:s16], $0x3800  }
0x172: {  	[sflag:s16] =	ssyncset.done @!p1 $0x0  }
0x173: {  	[sflag:s16] =	ssyncadd.s32 @!p1 $0xFFFFC800  }
0x174: {  	v62 =	vld [tilespmem:$0x170];
	_ =	sdelay $0x4  }
0x175: {  	(v2sf) =	vpush v62, $0x0;
	_ =	sdelay $0xe  }
0x176: {  	s22 =	spop (v2sf)  }
0x177: {  	p0 =	slt.s32 s22, $0x0  }
0x178: {  	s16 =	simm.s32 @!p0 $0x2  }
0x179: {  	_ =	swait.ge @!p0 [sflag:s16], $0x3800  }
0x17a: {  	(v2sf) =	vpush v62, $0x1;
	_ =	sdelay $0xe  }
0x17b: {  	s23 =	spop (v2sf)  }
0x17c: {  	[sflag:s16] =	ssyncset.done @!p0 $0x0;
	p1 =	slt.s32 s23, $0x0  }
0x17d: {  	[sflag:s16] =	ssyncadd.s32 @!p0 $0xFFFFC800;
	s16 =	simm.s32 @!p1 $0x2  }
0x17e: {  	_ =	swait.ge @!p1 [sflag:s16], $0x3800  }
0x17f: {  	(v2sf) =	vpush v62, $0x2;
	_ =	sdelay $0xe  }
0x180: {  	s24 =	spop (v2sf)  }
0x181: {  	[sflag:s16] =	ssyncset.done @!p1 $0x0;
	p0 =	slt.s32 s24, $0x0  }
0x182: {  	[sflag:s16] =	ssyncadd.s32 @!p1 $0xFFFFC800;
	s16 =	simm.s32 @!p0 $0x2  }
0x183: {  	_ =	swait.ge @!p0 [sflag:s16], $0x3800  }
0x184: {  	(v2sf) =	vpush v62, $0x3;
	_ =	sdelay $0xe  }
0x185: {  	s25 =	spop (v2sf)  }
0x186: {  	[sflag:s16] =	ssyncset.done @!p0 $0x0;
	p1 =	slt.s32 s25, $0x0  }
0x187: {  	[sflag:s16] =	ssyncadd.s32 @!p0 $0xFFFFC800;
	s16 =	simm.s32 @!p1 $0x2  }
0x188: {  	_ =	swait.ge @!p1 [sflag:s16], $0x3800  }
0x189: {  	[sflag:s16] =	ssyncset.done @!p1 $0x0  }
0x18a: {  	s26 =	simm.s32 $0x0;
	[sflag:s16] =	ssyncadd.s32 @!p1 $0xFFFFC800  }
0x18b: {  	v63 =	vld [tilespmem:s26+$0x0];
	_ =	sdelay $0x4  }
0x18c: {  	(v2sf) =	vpush v63, $0x0  }
0x18d: {  	(v2sf) =	vpush v63, $0x1  }
0x18e: {  	(v2sf) =	vpush v63, $0x2;
	_ =	sdelay $0x2  }
0x18f: {  	(v2sf) =	vpush v63, $0x3;
	_ =	sdelay $0x9  }
0x190: {  	s28 =	spop (v2sf)  }
0x191: {  	p0 =	sgt.s32 s28, $0xFFFFFFFF;
	s29 =	spop (v2sf)  }
0x192: {  	s17 =	simm.s32 @!p0 $0x3;
	s30 =	spop (v2sf)  }
0x193: {  	_ =	swait.ge @!p0 [sflag:s17], $0x3800  }
0x194: {  	p1 =	sgt.s32 s29, $0xFFFFFFFF;
	[sflag:s17] =	ssyncset.done @!p0 $0x0  }
0x195: {  	s31 =	spop (v2sf);
	[sflag:s17] =	ssyncadd.s32 @!p0 $0xFFFFC800;
	s17 =	simm.s32 @!p1 $0x3  }
0x196: {  	_ =	swait.ge @!p1 [sflag:s17], $0x3800  }
0x197: {  	p0 =	sgt.s32 s30, $0xFFFFFFFF;
	[sflag:s17] =	ssyncset.done @!p1 $0x0  }
0x198: {  	[sflag:s17] =	ssyncadd.s32 @!p1 $0xFFFFC800;
	s17 =	simm.s32 @!p0 $0x3  }
0x199: {  	_ =	swait.ge @!p0 [sflag:s17], $0x3800  }
0x19a: {  	p1 =	sgt.s32 s31, $0xFFFFFFFF;
	[sflag:s17] =	ssyncset.done @!p0 $0x0  }
0x19b: {  	s18 =	simm.s32 @!p1 $0x3;
	[sflag:s17] =	ssyncadd.s32 @!p0 $0xFFFFC800  }
0x19c: {  	_ =	swait.ge @!p1 [sflag:s18], $0x3800  }
0x19d: {  	s16 =	simm.s32 $0x40;
	s17 =	simm.s32 $0x80;
	[sflag:s18] =	ssyncset.done @!p1 $0x0  }
.LBB2_6:
0x19e: {  	s19 =	sshra.s32 s16, $0x2  }
0x19f: {  	[sflag:s18] =	ssyncadd.s32 @!p1 $0xFFFFC800;
	s16 =	smov.u32 s17;
	s17 =	sadd.s32 $0x40, s17  }
0x1a0: {  	p0 =	sne.s32 s17, $0x600;
	v0 =	vld [tilespmem:s19+$0x0];
	_ =	sdelay $0x4  }
0x1a1: {  	(v2sf) =	vpush v0, $0x0  }
0x1a2: {  	(v2sf) =	vpush v0, $0x1  }
0x1a3: {  	(v2sf) =	vpush v0, $0x2  }
0x1a4: {  	(v2sf) =	vpush v0, $0x3;
	_ =	sdelay $0xb  }
0x1a5: {  	s18 =	spop (v2sf)  }
0x1a6: {  	p1 =	sgt.s32 s18, $0xFFFFFFFF;
	s18 =	spop (v2sf)  }
0x1a7: {  	s19 =	simm.s32 @!p1 $0x3;
	s20 =	spop (v2sf)  }
0x1a8: {  	_ =	swait.ge @!p1 [sflag:s19], $0x3800  }
0x1a9: {  	s21 =	spop (v2sf)  }
0x1aa: {  	p2 =	sgt.s32 s18, $0xFFFFFFFF;
	[sflag:s19] =	ssyncset.done @!p1 $0x0  }
0x1ab: {  	s18 =	simm.s32 @!p2 $0x3;
	[sflag:s19] =	ssyncadd.s32 @!p1 $0xFFFFC800  }
0x1ac: {  	_ =	swait.ge @!p2 [sflag:s18], $0x3800  }
0x1ad: {  	p3 =	sgt.s32 s20, $0xFFFFFFFF;
	[sflag:s18] =	ssyncset.done @!p2 $0x0  }
0x1ae: {  	[sflag:s18] =	ssyncadd.s32 @!p2 $0xFFFFC800;
	s18 =	simm.s32 @!p3 $0x3  }
.Ltmp2:
0x1af: {  	_ =	swait.ge @!p3 [sflag:s18], $0x3800;
	(pc) =	sbr.rel @p0 .LBB2_6-.Ltmp2, $4  }
0x1b0: {  	p1 =	sgt.s32 s21, $0xFFFFFFFF;
	[sflag:s18] =	ssyncset.done @!p3 $0x0  }
0x1b1: {  	[sflag:s18] =	ssyncadd.s32 @!p3 $0xFFFFC800;
	s18 =	simm.s32 @!p1 $0x3  }
0x1b2: {  	_ =	swait.ge @!p1 [sflag:s18], $0x3800  }
0x1b3: {  	[sflag:s18] =	ssyncset.done @!p1 $0x0  }
0x1b4: {  	s16 =	sshra.s32 s16, $0x2;
	[sflag:s18] =	ssyncadd.s32 @!p1 $0xFFFFC800  }
0x1b5: {  	v0 =	vld [tilespmem:s16+$0x0];
	_ =	sdelay $0x4  }
0x1b6: {  	(v2sf) =	vpush v0, $0x0  }
0x1b7: {  	(v2sf) =	vpush v0, $0x1  }
0x1b8: {  	(v2sf) =	vpush v0, $0x2;
	_ =	sdelay $0x2  }
0x1b9: {  	(v2sf) =	vpush v0, $0x3;
	_ =	sdelay $0x9  }
0x1ba: {  	s28 =	spop (v2sf)  }
0x1bb: {  	p0 =	sgt.s32 s28, $0xFFFFFFFF;
	s29 =	spop (v2sf)  }
0x1bc: {  	s17 =	simm.s32 @!p0 $0x3;
	s30 =	spop (v2sf)  }
0x1bd: {  	_ =	swait.ge @!p0 [sflag:s17], $0x3800  }
0x1be: {  	p1 =	sgt.s32 s29, $0xFFFFFFFF;
	[sflag:s17] =	ssyncset.done @!p0 $0x0  }
0x1bf: {  	s31 =	spop (v2sf);
	[sflag:s17] =	ssyncadd.s32 @!p0 $0xFFFFC800;
	s17 =	simm.s32 @!p1 $0x3  }
0x1c0: {  	_ =	swait.ge @!p1 [sflag:s17], $0x3800  }
0x1c1: {  	p0 =	sgt.s32 s30, $0xFFFFFFFF;
	[sflag:s17] =	ssyncset.done @!p1 $0x0  }
0x1c2: {  	[sflag:s17] =	ssyncadd.s32 @!p1 $0xFFFFC800;
	s17 =	simm.s32 @!p0 $0x3  }
0x1c3: {  	_ =	swait.ge @!p0 [sflag:s17], $0x3800  }
0x1c4: {  	s15 =	sadd.s32 $0x1, s15;
	[sflag:s17] =	ssyncset.done @!p0 $0x0  }
0x1c5: {  	[sflag:s17] =	ssyncadd.s32 @!p0 $0xFFFFC800;
	p0 =	sne.s32 s15, s6  }
.Ltmp3:
0x1c6: {  	p1 =	sgt.s32 s31, $0xFFFFFFFF;
	(pc) =	sbr.rel @p0 .LBB2_1-.Ltmp3, $4  }
0x1c7: {  	s16 =	simm.s32 @!p1 $0x3  }
0x1c8: {  	_ =	swait.ge @!p1 [sflag:s16], $0x3800  }
0x1c9: {  	[sflag:s16] =	ssyncset.done @!p1 $0x0  }
0x1ca: {  	[sflag:s16] =	ssyncadd.s32 @!p1 $0xFFFFC800  }
0x1cb: {  	_ =	sfence.sel $0x180000  }
0x1cc: {  	[bflag:$0x0] =	sbarrier.arrive $0xFFFF  }
0x1cd: {  	p0 =	sne.s32 s0, $0x0;
	_ =	strace $0x90000047  }
0x1ce: {  	s0 =	sadd.s32 @!p0 $0x100000, s2;
	[bflag:$0x2] =	sbarrier.arrive $0xFFFF  }
0x1cf: {  	[sflag:s0] =	ssyncadd.tile.s32 @!p0 $0x1;
	_ =	shalt  }
.Lfunc_end2:
_tile_overlayer_lowered:
.L_overlay_start_2:
0x1d0: {  	(tag) =	ssettag $0x2  }
0x1d1: {  	s0 =	rddreg [dreg:$0x0];
	s2 =	stileid.u32  }
0x1d2: {  	s1 =	rddreg [dreg:$0x1];
	p0 =	sne.s32 s2, $0x0  }
0x1d3: {  	s3 =	rddreg [dreg:$0x2];
	[bflag:$0x3] =	sbarrier.arrive $0xFFFF;
	s2 =	simm.s32 @!p0 $0x1C04  }
0x1d4: {  	[timem:s3], [sflag:s2] =	dma.local @!p0 [hbm:s0], s1  }
0x1d5: {  	s0 =	simm.s32 @!p0 $0x4  }
0x1d6: {  	_ =	swait.ge @!p0 [sflag:s0], s1  }
0x1d7: {  	s1 =	ssub.s32 @!p0 $0x0, s1;
	[sflag:s0] =	ssyncset.done @!p0 $0x0  }
0x1d8: {  	[sflag:s0] =	ssyncadd.s32 @!p0 s1  }
0x1d9: {  	[bflag:$0x3] =	sbarrier.arrive $0xFFFF  }
0x1da: {  	_ =	shalt  }

</sc_bundles>
